<compile_context>
chip_gen: v7x
topology: tpu7x:2x2x1
jax: 0.10.2.dev20260603
libtpu: 0.0.44.dev20260713+nightly
codegen_flags: <defaults>
</compile_context>

<pallas_src>
import functools

import jax
import jax.numpy as jnp
import numpy as np
from jax import lax
from jax.experimental import pallas as pl
from jax.experimental.pallas import tpu as pltpu
from jax.experimental.pallas import tpu_sc as plsc

N = 10000
E = 320000
AB = 32
NF = 8
NC, NS, L = 2, 16, 16
NW = NC * NS
CH = 128
NCHUNK = E // CH
CPW = NCHUNK // NW
CREM = NCHUNK - CPW * NW
ZR = 624
ZTAIL = N - ZR * NS


def _silu(t):
    return t * (1.0 / (1.0 + jnp.exp(-t)))



def _t1_body(x_ref, w_ref, o_ref):
    o_ref[...] = jnp.dot(x_ref[...], w_ref[...], preferred_element_type=jnp.float32)


def _t1(x, Wbig):
    bn = 2000
    return pl.pallas_call(
        _t1_body,
        grid=(N // bn,),
        in_specs=[
            pl.BlockSpec((bn, 4 * AB), lambda i: (i, 0)),
            pl.BlockSpec((4 * AB, AB), lambda i: (0, 0)),
        ],
        out_specs=pl.BlockSpec((bn, AB), lambda i: (i, 0)),
        out_shape=jax.ShapeDtypeStruct((N, AB), jnp.float32),
    )(x, Wbig)



def _t2_body(f_ref, r_ref, w1_ref, b1_ref, w2_ref, b2_ref, o_ref):
    h = _silu(jnp.dot(f_ref[...], w1_ref[...], preferred_element_type=jnp.float32)
              + b1_ref[...][None, :])
    w = jnp.dot(h, w2_ref[...], preferred_element_type=jnp.float32) + b2_ref[...][None, :]
    o_ref[...] = w * r_ref[...]


def _t2(f_ij, rcut, Wf1, bf1, Wf2e, bf2e):
    be = 4000
    return pl.pallas_call(
        _t2_body,
        grid=(E // be,),
        in_specs=[
            pl.BlockSpec((be, 20), lambda i: (i, 0)),
            pl.BlockSpec((be, 1), lambda i: (i, 0)),
            pl.BlockSpec((20, NF), lambda i: (0, 0)),
            pl.BlockSpec((NF,), lambda i: (0,)),
            pl.BlockSpec((NF, 4 * NF), lambda i: (0, 0)),
            pl.BlockSpec((4 * NF,), lambda i: (0,)),
        ],
        out_specs=pl.BlockSpec((be, 4 * NF), lambda i: (i, 0)),
        out_shape=jax.ShapeDtypeStruct((E, 4 * NF), jnp.float32),
    )(f_ij, rcut.reshape(E, 1), Wf1, bf1, Wf2e, bf2e)



def _sc_body(table, idxj, idxi, yr, wf, out_hbm,
             idxj_v, idxi_v, rows_v, w_v, yr_v, out_v, zbuf, agg, sem):
    cid = lax.axis_index("c")
    sid = lax.axis_index("s")
    wid = cid * NS + sid

    zero16 = jnp.zeros((L,), jnp.float32)

    def _z(i, carry):
        for q in range(4):
            zbuf[i, pl.ds(q * L, L)] = zero16
        return carry

    lax.fori_loop(0, ZR, _z, 0)
    pltpu.sync_copy(zbuf, agg.at[pl.ds(sid * ZR, ZR)])

    @pl.when(sid == 0)
    def _ztail():
        pltpu.sync_copy(zbuf.at[pl.ds(0, ZTAIL)], agg.at[pl.ds(ZR * NS, ZTAIL)])

    plsc.subcore_barrier()

    start = wid * CPW + jnp.minimum(wid, CREM)
    nchunks = CPW + jnp.where(wid < CREM, 1, 0)

    def _chunk(i, carry):
        e0 = (start + i) * CH
        pltpu.sync_copy(idxj.at[pl.ds(e0, CH)], idxj_v)
        cp = pltpu.async_copy(table.at[idxj_v], rows_v, sem)
        pltpu.sync_copy(idxi.at[pl.ds(e0, CH)], idxi_v)
        pltpu.sync_copy(wf.at[pl.ds(e0, CH)], w_v)
        pltpu.sync_copy(yr.at[pl.ds(e0, CH)], yr_v)
        cp.wait()

        def _group(g, gcarry):
            rid = lax.broadcasted_iota(jnp.int32, (L,), 0) + g * L

            def ld(ref, c):
                return plsc.load_gather(ref, [rid, jnp.full((L,), c, jnp.int32)])

            def st(j, val):
                plsc.store_scatter(out_v, [rid, jnp.full((L,), j, jnp.int32)], val)

            Ys = ld(yr_v, 0)
            Yx = ld(yr_v, 1)
            Yy = ld(yr_v, 2)
            Yz = ld(yr_v, 3)
            for f in range(NF):
                s = ld(rows_v, f)
                vx = ld(rows_v, 8 + f)
                vy = ld(rows_v, 16 + f)
                vz = ld(rows_v, 24 + f)
                w0a = ld(w_v, f)
                w0b = ld(w_v, 8 + f)
                wva = ld(w_v, 16 + f)
                wvb = ld(w_v, 24 + f)
                st(f, s * Ys * w0a)
                st(8 + f, (vx * Yx + vy * Yy + vz * Yz) * w0b)
                ta = s * wva
                tb = Ys * wvb
                st(16 + f, ta * Yx)
                st(24 + f, vx * tb)
                st(32 + f, ta * Yy)
                st(40 + f, vy * tb)
                st(48 + f, ta * Yz)
                st(56 + f, vz * tb)
            return gcarry

        lax.fori_loop(0, CH // L, _group, 0)
        pltpu.sync_copy(out_v, agg.at[idxi_v], add=True)
        return carry

    lax.fori_loop(0, nchunks, _chunk, 0)
    plsc.subcore_barrier()
    pltpu.sync_copy(agg.at[pl.ds(sid * ZR, ZR)],
                    out_hbm.at[cid, pl.ds(sid * ZR, ZR)])

    @pl.when(sid == 0)
    def _wtail():
        pltpu.sync_copy(agg.at[pl.ds(ZR * NS, ZTAIL)],
                        out_hbm.at[cid, pl.ds(ZR * NS, ZTAIL)])


def _sc_call(table, idx_j, idx_i, Yr, Wf):
    mesh = plsc.VectorSubcoreMesh(core_axis_name="c", subcore_axis_name="s",
                                  num_cores=NC, num_subcores=NS)
    fn = functools.partial(
        pl.kernel,
        out_type=jax.ShapeDtypeStruct((NC, N, 64), jnp.float32),
        mesh=mesh,
        compiler_params=pltpu.CompilerParams(needs_layout_passes=False,
                                             use_tc_tiling_on_sc=False),
        scratch_types=[
            pltpu.VMEM((CH,), jnp.int32),
            pltpu.VMEM((CH,), jnp.int32),
            pltpu.VMEM((CH, AB), jnp.float32),
            pltpu.VMEM((CH, 4 * NF), jnp.float32),
            pltpu.VMEM((CH, 4), jnp.float32),
            pltpu.VMEM((CH, 64), jnp.float32),
            pltpu.VMEM((ZR, 64), jnp.float32),
            pltpu.VMEM_SHARED((N, 64), jnp.float32),
            pltpu.SemaphoreType.DMA,
        ],
    )(_sc_body)
    return fn(table, idx_j, idx_i, Yr, Wf)



def _t3_body(p_ref, w2s_ref, w2v_ref, w3s_ref, w3v_ref, os_ref, ov_ref):
    p = p_ref[0] + p_ref[1]
    s = _silu(jnp.dot(p[:, :16], w2s_ref[...], preferred_element_type=jnp.float32))
    os_ref[...] = jnp.dot(s, w3s_ref[...], preferred_element_type=jnp.float32)
    w2v = w2v_ref[...]
    w3v = w3v_ref[...]
    for c in range(3):
        vc = jnp.dot(p[:, 16 + 16 * c:32 + 16 * c], w2v,
                     preferred_element_type=jnp.float32)
        ov_ref[c] = jnp.dot(vc, w3v, preferred_element_type=jnp.float32)


def _t3(partials, W2se, W2ve, W3se, W3ve):
    bn = 2000
    return pl.pallas_call(
        _t3_body,
        grid=(N // bn,),
        in_specs=[
            pl.BlockSpec((NC, bn, 64), lambda i: (0, i, 0)),
            pl.BlockSpec((16, AB), lambda i: (0, 0)),
            pl.BlockSpec((16, AB), lambda i: (0, 0)),
            pl.BlockSpec((AB, AB), lambda i: (0, 0)),
            pl.BlockSpec((AB, AB), lambda i: (0, 0)),
        ],
        out_specs=[
            pl.BlockSpec((bn, AB), lambda i: (i, 0)),
            pl.BlockSpec((3, bn, AB), lambda i: (0, i, 0)),
        ],
        out_shape=[
            jax.ShapeDtypeStruct((N, AB), jnp.float32),
            jax.ShapeDtypeStruct((3, N, AB), jnp.float32),
        ],
    )(partials, W2se, W2ve, W3se, W3ve)



def kernel(x, idx_i, idx_j, f_ij, rcut_ij, Yr_ij, W1s, W1v, Wf1, bf1, Wf2, bf2,
           W2s, W2v, W3s, W3v):
    s1 = np.float32(1.0 / np.sqrt(AB))

    vblk = (jnp.asarray(np.eye(3, dtype=np.float32))[None, :, :, None]
            * (W1v * s1)[:, None, None, :]).reshape(3 * AB, 3 * NF)
    ztr = jnp.zeros((AB, 3 * NF), jnp.float32)
    zbl = jnp.zeros((3 * AB, NF), jnp.float32)
    Wbig = jnp.concatenate([
        jnp.concatenate([W1s * s1, ztr], axis=1),
        jnp.concatenate([zbl, vblk], axis=1)], axis=0)

    perm = np.concatenate([
        2 * np.arange(8), 2 * np.arange(8) + 1,
        16 + 2 * np.arange(8), 16 + 2 * np.arange(8) + 1])
    colscale = np.concatenate([
        np.ones(8), np.ones(8) / np.sqrt(3.0), np.ones(16)]).astype(np.float32)
    P = np.zeros((6 * NF, 4 * NF), dtype=np.float32)
    P[perm, np.arange(4 * NF)] = colscale
    P = jnp.asarray(P)
    Wf2e = Wf2 @ P
    bf2e = bf2 @ P

    rS = np.concatenate([2 * np.arange(8), 2 * np.arange(8) + 1])
    s2 = np.float32(1.0 / np.sqrt(2.0 * NF))
    Q = np.zeros((2 * NF, 2 * NF), dtype=np.float32)
    Q[np.arange(2 * NF), rS] = s2
    Q = jnp.asarray(Q)
    W2se = Q @ W2s
    W2ve = Q @ W2v
    W3se = W3s * s1
    W3ve = W3v * s1

    table = _t1(x, Wbig)
    Wf = _t2(f_ij, rcut_ij, Wf1, bf1, Wf2e, bf2e)
    partials = _sc_call(table, idx_j, idx_i, Yr_ij, Wf)
    outs, outv = _t3(partials, W2se, W2ve, W3se, W3ve)
    vcat = jnp.transpose(outv, (1, 2, 0)).reshape(N, 3 * AB)
    return jnp.concatenate([outs, vcat], axis=1)

# --- scband reference (transcript-rebuilt; emitter-appended) ---
"""Pipeline reference for scband-e3-sch-net-interaction-block-16561393893483 (READ-ONLY COPY).

The authoritative reference and input builder live on the scoring server;
editing this copy changes nothing except your own understanding.
"""

import jax, jax.numpy as jnp
import numpy as np

N_NODES = 10000
N_EDGES = 320000
N_ATOM_BASIS = 32
N_FILTERS = 8
N_RBF = 20
NI = 6 * N_FILTERS  # num_irreps of x_j after tensor product + axis_to_mul (2x0e+2x1o+1x1e+1x2e per filter)


def setup_inputs(seed: int = 0) -> dict:
    key = jax.random.key(seed)
    ks = jax.random.split(key, 16)
    x = jax.random.normal(ks[0], (N_NODES, 4 * N_ATOM_BASIS), dtype=jnp.float32)
    idx_i = jax.random.randint(ks[1], (N_EDGES,), 0, N_NODES)
    idx_j = jax.random.randint(ks[2], (N_EDGES,), 0, N_NODES)
    f_ij = jax.random.uniform(ks[3], (N_EDGES, N_RBF), dtype=jnp.float32)
    rcut_ij = jax.random.uniform(ks[4], (N_EDGES,), dtype=jnp.float32)
    Yr_ij = jax.random.normal(ks[5], (N_EDGES, 4), dtype=jnp.float32)
    W1s = jax.random.normal(ks[6], (N_ATOM_BASIS, N_FILTERS), dtype=jnp.float32)
    W1v = jax.random.normal(ks[7], (N_ATOM_BASIS, N_FILTERS), dtype=jnp.float32)
    Wf1 = jax.random.normal(ks[8], (N_RBF, N_FILTERS), dtype=jnp.float32) / np.sqrt(N_RBF)
    bf1 = jnp.zeros((N_FILTERS,), dtype=jnp.float32)
    Wf2 = jax.random.normal(ks[9], (N_FILTERS, NI), dtype=jnp.float32) / np.sqrt(N_FILTERS)
    bf2 = jnp.zeros((NI,), dtype=jnp.float32)
    W2s = jax.random.normal(ks[10], (2 * N_FILTERS, N_ATOM_BASIS), dtype=jnp.float32)
    W2v = jax.random.normal(ks[11], (2 * N_FILTERS, N_ATOM_BASIS), dtype=jnp.float32)
    W3s = jax.random.normal(ks[12], (N_ATOM_BASIS, N_ATOM_BASIS), dtype=jnp.float32)
    W3v = jax.random.normal(ks[13], (N_ATOM_BASIS, N_ATOM_BASIS), dtype=jnp.float32)
    return {"x": x, "idx_i": idx_i, "idx_j": idx_j, "f_ij": f_ij, "rcut_ij": rcut_ij, "Yr_ij": Yr_ij,
            "W1s": W1s, "W1v": W1v, "Wf1": Wf1, "bf1": bf1, "Wf2": Wf2, "bf2": bf2,
            "W2s": W2s, "W2v": W2v, "W3s": W3s, "W3v": W3v}


def _forward(x, idx_i, idx_j, f_ij, rcut_ij, Yr_ij, W1s, W1v, Wf1, bf1, Wf2, bf2, W2s, W2v, W3s, W3v):
    N = x.shape[0]
    E = idx_i.shape[0]
    nf = N_FILTERS
    # input irreps: 32x0e + 32x1o, flat layout [scalars | vectors]
    xs = x[:, :N_ATOM_BASIS]
    xv = x[:, N_ATOM_BASIS:].reshape(N, N_ATOM_BASIS, 3)
    # e3nn Linear: input irreps -> n_filters x (0e + 1o), path-normalized
    ys = (xs @ W1s) / jnp.sqrt(float(N_ATOM_BASIS))
    yv = jnp.einsum('nic,io->noc', xv, W1v) / jnp.sqrt(float(N_ATOM_BASIS))
    # gather neighbor features (x_j = x[idx_j])
    s_j = ys[idx_j]
    v_j = yv[idx_j]
    Ys = Yr_ij[:, 0]
    Yv = Yr_ij[:, 1:4]
    Yvb = jnp.broadcast_to(Yv[:, None, :], v_j.shape)
    # tensor product (0e+1o) x (0e+1o) per filter (mul_to_axis structure)
    A0 = s_j * Ys[:, None]
    B0 = jnp.sum(v_j * Yvb, axis=-1) / jnp.sqrt(3.0)
    A1 = s_j[..., None] * Yv[:, None, :]
    B1 = v_j * Ys[:, None, None]
    C1 = jnp.cross(v_j, Yvb) / jnp.sqrt(2.0)
    vx, vy, vz = v_j[..., 0], v_j[..., 1], v_j[..., 2]
    wx, wy, wz = Yvb[..., 0], Yvb[..., 1], Yvb[..., 2]
    D2 = jnp.stack([
        (vx * wy + vy * wx) / jnp.sqrt(2.0),
        (vy * wz + vz * wy) / jnp.sqrt(2.0),
        (2.0 * vz * wz - vx * wx - vy * wy) / jnp.sqrt(6.0),
        (vx * wz + vz * wx) / jnp.sqrt(2.0),
        (vx * wx - vy * wy) / jnp.sqrt(2.0),
    ], axis=-1)
    # axis_to_mul: merge filter axis into irrep multiplicities (filter-major)
    S = jnp.stack([A0, B0], axis=-1).reshape(E, 2 * nf)
    V = jnp.stack([A1, B1], axis=-2).reshape(E, 2 * nf, 3)
    # filter network W_ij = MLP(f_ij) * rcut_ij, one scalar per irrep
    h = jax.nn.silu(f_ij @ Wf1 + bf1)
    W = (h @ Wf2 + bf2) * rcut_ij[:, None]
    W0 = W[:, :2 * nf]
    Wv = W[:, 2 * nf:4 * nf]
    Wc = W[:, 4 * nf:5 * nf]
    Wd = W[:, 5 * nf:6 * nf]
    flat = jnp.concatenate([
        S * W0,
        (V * Wv[..., None]).reshape(E, -1),
        (C1 * Wc[..., None]).reshape(E, -1),
        (D2 * Wd[..., None]).reshape(E, -1),
    ], axis=-1)
    # scatter_sum over destination atoms
    agg = jax.ops.segment_sum(flat, idx_i, num_segments=N)
    aggS = agg[:, :2 * nf]
    aggV = agg[:, 2 * nf:8 * nf].reshape(N, 2 * nf, 3)
    # e3nn Linear back to input irreps (1e / 2e channels have no path, dropped)
    outs = (aggS @ W2s) / jnp.sqrt(2.0 * nf)
    outv = jnp.einsum('nic,io->noc', aggV, W2v) / jnp.sqrt(2.0 * nf)
    # scalar activation on l=0 channels only
    outs = jax.nn.silu(outs)
    # final e3nn Linear
    outs = (outs @ W3s) / jnp.sqrt(float(N_ATOM_BASIS))
    outv = jnp.einsum('nic,io->noc', outv, W3v) / jnp.sqrt(float(N_ATOM_BASIS))
    return jnp.concatenate([outs, outv.reshape(N, -1)], axis=-1)


def reference(x, idx_i, idx_j, f_ij, rcut_ij, Yr_ij, W1s, W1v, Wf1, bf1, Wf2, bf2, W2s, W2v, W3s, W3v):
    return _forward(x, idx_i, idx_j, f_ij, rcut_ij, Yr_ij, W1s, W1v, Wf1, bf1, Wf2, bf2, W2s, W2v, W3s, W3v)

if __name__ == "__main__":
    import jax
    _d = setup_inputs()
    print(jax.jit(kernel)(*tuple(_d.values())))

</pallas_src>

<mosaic_0001>
#map = affine_map<(d0, d1) -> (0, 0)>
#map1 = affine_map<(d0, d1) -> (0)>
#map2 = affine_map<(d0, d1) -> (0, 0, 0)>
module attributes {stable_mosaic.version = 14 : i64} {
  func.func @_sc_body(%arg0: i32, %arg1: i32, %arg2: memref<10000x32xf32, #tpu.memory_space<hbm>>, %arg3: memref<320000xi32, #tpu.memory_space<hbm>>, %arg4: memref<320000xi32, #tpu.memory_space<hbm>>, %arg5: memref<320000x4xf32, #tpu.memory_space<hbm>>, %arg6: memref<320000x32xf32, #tpu.memory_space<hbm>>, %arg7: memref<2x10000x64xf32, #tpu.memory_space<hbm>>, %arg8: memref<128xi32, #tpu.memory_space<vmem>>, %arg9: memref<128xi32, #tpu.memory_space<vmem>>, %arg10: memref<128x32xf32, #tpu.memory_space<vmem>>, %arg11: memref<128x32xf32, #tpu.memory_space<vmem>>, %arg12: memref<128x4xf32, #tpu.memory_space<vmem>>, %arg13: memref<128x64xf32, #tpu.memory_space<vmem>>, %arg14: memref<624x64xf32, #tpu.memory_space<vmem>>, %arg15: memref<10000x64xf32, #tpu.memory_space<vmem_shared>>, %arg16: memref<!tpu.dma_semaphore, #tpu.memory_space<semaphore_mem>>) attributes {dimension_semantics = [#tpu.dimension_semantics<core_parallel>, #tpu.dimension_semantics<subcore_parallel>], iteration_bounds = array<i64: 2, 16>, scalar_prefetch = 0 : i64, scratch_operands = 9 : i64, tpu.core_type = #tpu.core_type<sc_vector_subcore>, window_params = [{transform_indices = #map}, {transform_indices = #map1}, {transform_indices = #map1}, {transform_indices = #map}, {transform_indices = #map}, {transform_indices = #map2}]} {
    %mul3A = arith.constant 16 : i32
    %mul3A_0 = arith.muli %arg0, %mul3A : i32
    %add3A = arith.addi %mul3A_0, %arg1 : i32
    %broadcast_in_dim3A = arith.constant 0.000000e+00 : f32
    %broadcast_in_dim3A_1 = vector.broadcast %broadcast_in_dim3A : f32 to vector<16xf32>
    %scan3A = arith.constant 0 : i32
    %scan3A_2 = arith.constant 0 : i32
    %scan3A_3 = arith.constant 624 : i32
    %scan3A_4 = arith.addi %scan3A_2, %scan3A_3 : i32
    %scan3A_5 = arith.constant 1 : i32
    scf.for %scan3A_38 = %scan3A_2 to %scan3A_4 step %scan3A_5  : i32 {
      %swap3A = arith.index_cast %scan3A_38 : i32 to index
      %swap3A_39 = arith.constant 0 : index
      %swap3A_40 = tpu.vector_load %arg14[%swap3A, %swap3A_39] {strides = array<i32>} : memref<624x64xf32, #tpu.memory_space<vmem>>, vector<16xf32>,
      tpu.vector_store %arg14[%swap3A, %swap3A_39], %broadcast_in_dim3A_1 {strides = array<i32>} : memref<624x64xf32, #tpu.memory_space<vmem>>, vector<16xf32>,
      %swap3A_41 = arith.index_cast %scan3A_38 : i32 to index
      %swap3A_42 = arith.constant 16 : index
      %swap3A_43 = tpu.vector_load %arg14[%swap3A_41, %swap3A_42] {strides = array<i32>} : memref<624x64xf32, #tpu.memory_space<vmem>>, vector<16xf32>,
      tpu.vector_store %arg14[%swap3A_41, %swap3A_42], %broadcast_in_dim3A_1 {strides = array<i32>} : memref<624x64xf32, #tpu.memory_space<vmem>>, vector<16xf32>,
      %swap3A_44 = arith.index_cast %scan3A_38 : i32 to index
      %swap3A_45 = arith.constant 32 : index
      %swap3A_46 = tpu.vector_load %arg14[%swap3A_44, %swap3A_45] {strides = array<i32>} : memref<624x64xf32, #tpu.memory_space<vmem>>, vector<16xf32>,
      tpu.vector_store %arg14[%swap3A_44, %swap3A_45], %broadcast_in_dim3A_1 {strides = array<i32>} : memref<624x64xf32, #tpu.memory_space<vmem>>, vector<16xf32>,
      %swap3A_47 = arith.index_cast %scan3A_38 : i32 to index
      %swap3A_48 = arith.constant 48 : index
      %swap3A_49 = tpu.vector_load %arg14[%swap3A_47, %swap3A_48] {strides = array<i32>} : memref<624x64xf32, #tpu.memory_space<vmem>>, vector<16xf32>,
      tpu.vector_store %arg14[%swap3A_47, %swap3A_48], %broadcast_in_dim3A_1 {strides = array<i32>} : memref<624x64xf32, #tpu.memory_space<vmem>>, vector<16xf32>,
    }
    %scan3A_6 = arith.constant 624 : i32
    %mul3A_7 = arith.constant 624 : i32
    %mul3A_8 = arith.muli %arg1, %mul3A_7 : i32
    "tpu.region"() ({
      %run_scoped3A = tpu.sem_alloc : memref<!tpu.dma_semaphore, #tpu.memory_space<semaphore_mem>>
      %dma_start3A = arith.constant 0 : i32
      %dma_start3A_38 = tpu.memref_slice %arg15[%mul3A_8, %dma_start3A] : memref<10000x64xf32, #tpu.memory_space<vmem_shared>> -> memref<624x64xf32, #tpu.memory_space<vmem_shared>>
      %dma_start3A_39 = arith.constant 0 : i32
      %dma_start3A_40 = tpu.memref_slice %arg15[%mul3A_8, %dma_start3A_39] : memref<10000x64xf32, #tpu.memory_space<vmem_shared>> -> memref<624x64xf32, #tpu.memory_space<vmem_shared>>
      tpu.enqueue_dma source(%arg14 : memref<624x64xf32, #tpu.memory_space<vmem>>) target(%dma_start3A_40 : memref<624x64xf32, #tpu.memory_space<vmem_shared>>) target_semaphore(%run_scoped3A : memref<!tpu.dma_semaphore, #tpu.memory_space<semaphore_mem>>)
      %dma_wait3A = arith.constant 0 : i32
      %dma_wait3A_41 = tpu.memref_slice %arg15[%mul3A_8, %dma_wait3A] : memref<10000x64xf32, #tpu.memory_space<vmem_shared>> -> memref<624x64xf32, #tpu.memory_space<vmem_shared>>
      %dma_wait3A_42 = arith.constant 0 : i32
      %dma_wait3A_43 = tpu.memref_slice %arg15[%mul3A_8, %dma_wait3A_42] : memref<10000x64xf32, #tpu.memory_space<vmem_shared>> -> memref<624x64xf32, #tpu.memory_space<vmem_shared>>
      tpu.wait_dma2 semaphore(%run_scoped3A : memref<!tpu.dma_semaphore, #tpu.memory_space<semaphore_mem>>) src(%arg14 : memref<624x64xf32, #tpu.memory_space<vmem>>) dst(%dma_wait3A_43 : memref<624x64xf32, #tpu.memory_space<vmem_shared>>)
      tpu.yield
    }) : () -> ()
    %eq3A = arith.constant 0 : i32
    %eq3A_9 = arith.cmpi eq, %arg1, %eq3A : i32
    %convert_element_type3A = arith.extui %eq3A_9 : i1 to i32
    %cond3A = arith.constant 0 : i32
    %cond3A_10 = arith.cmpi ne, %convert_element_type3A, %cond3A : i32
    scf.if %cond3A_10 {
      "tpu.region"() ({
        %run_scoped3A = tpu.sem_alloc : memref<!tpu.dma_semaphore, #tpu.memory_space<semaphore_mem>>
        %dma_start3A = arith.constant 0 : i32
        %dma_start3A_38 = arith.constant 0 : i32
        %dma_start3A_39 = tpu.memref_slice %arg14[%dma_start3A, %dma_start3A_38] : memref<624x64xf32, #tpu.memory_space<vmem>> -> memref<16x64xf32, #tpu.memory_space<vmem>>
        %dma_start3A_40 = arith.constant 9984 : i32
        %dma_start3A_41 = arith.constant 0 : i32
        %dma_start3A_42 = tpu.memref_slice %arg15[%dma_start3A_40, %dma_start3A_41] : memref<10000x64xf32, #tpu.memory_space<vmem_shared>> -> memref<16x64xf32, #tpu.memory_space<vmem_shared>>
        %dma_start3A_43 = arith.constant 9984 : i32
        %dma_start3A_44 = arith.constant 0 : i32
        %dma_start3A_45 = tpu.memref_slice %arg15[%dma_start3A_43, %dma_start3A_44] : memref<10000x64xf32, #tpu.memory_space<vmem_shared>> -> memref<16x64xf32, #tpu.memory_space<vmem_shared>>
        %dma_start3A_46 = arith.constant 0 : i32
        %dma_start3A_47 = arith.constant 0 : i32
        %dma_start3A_48 = tpu.memref_slice %arg14[%dma_start3A_46, %dma_start3A_47] : memref<624x64xf32, #tpu.memory_space<vmem>> -> memref<16x64xf32, #tpu.memory_space<vmem>>
        tpu.enqueue_dma source(%dma_start3A_48 : memref<16x64xf32, #tpu.memory_space<vmem>>) target(%dma_start3A_45 : memref<16x64xf32, #tpu.memory_space<vmem_shared>>) target_semaphore(%run_scoped3A : memref<!tpu.dma_semaphore, #tpu.memory_space<semaphore_mem>>)
        %dma_wait3A = arith.constant 0 : i32
        %dma_wait3A_49 = arith.constant 0 : i32
        %dma_wait3A_50 = tpu.memref_slice %arg14[%dma_wait3A, %dma_wait3A_49] : memref<624x64xf32, #tpu.memory_space<vmem>> -> memref<16x64xf32, #tpu.memory_space<vmem>>
        %dma_wait3A_51 = arith.constant 9984 : i32
        %dma_wait3A_52 = arith.constant 0 : i32
        %dma_wait3A_53 = tpu.memref_slice %arg15[%dma_wait3A_51, %dma_wait3A_52] : memref<10000x64xf32, #tpu.memory_space<vmem_shared>> -> memref<16x64xf32, #tpu.memory_space<vmem_shared>>
        %dma_wait3A_54 = arith.constant 9984 : i32
        %dma_wait3A_55 = arith.constant 0 : i32
        %dma_wait3A_56 = tpu.memref_slice %arg15[%dma_wait3A_54, %dma_wait3A_55] : memref<10000x64xf32, #tpu.memory_space<vmem_shared>> -> memref<16x64xf32, #tpu.memory_space<vmem_shared>>
        %dma_wait3A_57 = arith.constant 0 : i32
        %dma_wait3A_58 = arith.constant 0 : i32
        %dma_wait3A_59 = tpu.memref_slice %arg14[%dma_wait3A_57, %dma_wait3A_58] : memref<624x64xf32, #tpu.memory_space<vmem>> -> memref<16x64xf32, #tpu.memory_space<vmem>>
        tpu.wait_dma2 semaphore(%run_scoped3A : memref<!tpu.dma_semaphore, #tpu.memory_space<semaphore_mem>>) src(%dma_wait3A_59 : memref<16x64xf32, #tpu.memory_space<vmem>>) dst(%dma_wait3A_56 : memref<16x64xf32, #tpu.memory_space<vmem_shared>>)
        tpu.yield
      }) : () -> ()
    } else {
    }
    %barrier3A = arith.constant 0 : index
    tpu.barrier barrier_id(%barrier3A)
    %mul3A_11 = arith.constant 78 : i32
    %mul3A_12 = arith.muli %add3A, %mul3A_11 : i32
    %min3A = arith.constant 4 : i32
    %min3A_13 = arith.minsi %add3A, %min3A : i32
    %add3A_14 = arith.addi %mul3A_12, %min3A_13 : i32
    %lt3A = arith.constant 4 : i32
    %lt3A_15 = arith.cmpi slt, %add3A, %lt3A : i32
    %jit3A = arith.constant 1 : i32
    %jit3A_16 = arith.constant 0 : i32
    %select_n3A = arith.select %lt3A_15, %jit3A, %jit3A_16 : i32
    %add3A_17 = arith.constant 78 : i32
    %add3A_18 = arith.addi %add3A_17, %select_n3A : i32
    %while3A = arith.constant 0 : i32
    %while3A_19 = arith.constant 0 : i32
    %while3A_20 = arith.subi %add3A_18, %while3A_19 : i32
    %while3A_21 = arith.addi %while3A_19, %while3A_20 : i32
    %while3A_22 = arith.constant 1 : i32
    %while3A_23 = arith.divsi %while3A_20, %while3A_22 : i32
    %while3A_24 = arith.muli %while3A_23, %while3A_22 : i32
    %while3A_25 = arith.addi %while3A_19, %while3A_24 : i32
    %while3A_26 = arith.constant 1 : i32
    scf.for %while3A_38 = %while3A_19 to %while3A_25 step %while3A_26  : i32 {
      %add3A_39 = arith.addi %add3A_14, %while3A_38 : i32
      %mul3A_40 = arith.constant 128 : i32
      %mul3A_41 = arith.muli %add3A_39, %mul3A_40 : i32
      "tpu.region"() ({
        %run_scoped3A = tpu.sem_alloc : memref<!tpu.dma_semaphore, #tpu.memory_space<semaphore_mem>>
        %dma_start3A_52 = tpu.memref_slice %arg3[%mul3A_41] : memref<320000xi32, #tpu.memory_space<hbm>> -> memref<128xi32, #tpu.memory_space<hbm>>
        %dma_start3A_53 = tpu.memref_slice %arg3[%mul3A_41] : memref<320000xi32, #tpu.memory_space<hbm>> -> memref<128xi32, #tpu.memory_space<hbm>>
        tpu.enqueue_dma source(%dma_start3A_53 : memref<128xi32, #tpu.memory_space<hbm>>) target(%arg8 : memref<128xi32, #tpu.memory_space<vmem>>) target_semaphore(%run_scoped3A : memref<!tpu.dma_semaphore, #tpu.memory_space<semaphore_mem>>)
        %dma_wait3A_54 = tpu.memref_slice %arg3[%mul3A_41] : memref<320000xi32, #tpu.memory_space<hbm>> -> memref<128xi32, #tpu.memory_space<hbm>>
        %dma_wait3A_55 = tpu.memref_slice %arg3[%mul3A_41] : memref<320000xi32, #tpu.memory_space<hbm>> -> memref<128xi32, #tpu.memory_space<hbm>>
        tpu.wait_dma2 semaphore(%run_scoped3A : memref<!tpu.dma_semaphore, #tpu.memory_space<semaphore_mem>>) src(%dma_wait3A_55 : memref<128xi32, #tpu.memory_space<hbm>>) dst(%arg8 : memref<128xi32, #tpu.memory_space<vmem>>)
        tpu.yield
      }) : () -> ()
      %dma_start3A = arith.constant 0 : i32
      %dma_start3A_42 = arith.constant 0 : i32
      %dma_start3A_43 = tpu.memref_slice %arg2[%dma_start3A, %dma_start3A_42] : memref<10000x32xf32, #tpu.memory_space<hbm>> -> memref<10000x32xf32, #tpu.memory_space<hbm>>
      tpu.enqueue_indirect_dma source(%dma_start3A_43 : memref<10000x32xf32, #tpu.memory_space<hbm>>) target(%arg10 : memref<128x32xf32, #tpu.memory_space<vmem>>) offsets(%arg8 : memref<128xi32, #tpu.memory_space<vmem>>) semaphore(%arg16 : memref<!tpu.dma_semaphore, #tpu.memory_space<semaphore_mem>>)
      "tpu.region"() ({
        %run_scoped3A = tpu.sem_alloc : memref<!tpu.dma_semaphore, #tpu.memory_space<semaphore_mem>>
        %dma_start3A_52 = tpu.memref_slice %arg4[%mul3A_41] : memref<320000xi32, #tpu.memory_space<hbm>> -> memref<128xi32, #tpu.memory_space<hbm>>
        %dma_start3A_53 = tpu.memref_slice %arg4[%mul3A_41] : memref<320000xi32, #tpu.memory_space<hbm>> -> memref<128xi32, #tpu.memory_space<hbm>>
        tpu.enqueue_dma source(%dma_start3A_53 : memref<128xi32, #tpu.memory_space<hbm>>) target(%arg9 : memref<128xi32, #tpu.memory_space<vmem>>) target_semaphore(%run_scoped3A : memref<!tpu.dma_semaphore, #tpu.memory_space<semaphore_mem>>)
        %dma_wait3A_54 = tpu.memref_slice %arg4[%mul3A_41] : memref<320000xi32, #tpu.memory_space<hbm>> -> memref<128xi32, #tpu.memory_space<hbm>>
        %dma_wait3A_55 = tpu.memref_slice %arg4[%mul3A_41] : memref<320000xi32, #tpu.memory_space<hbm>> -> memref<128xi32, #tpu.memory_space<hbm>>
        tpu.wait_dma2 semaphore(%run_scoped3A : memref<!tpu.dma_semaphore, #tpu.memory_space<semaphore_mem>>) src(%dma_wait3A_55 : memref<128xi32, #tpu.memory_space<hbm>>) dst(%arg9 : memref<128xi32, #tpu.memory_space<vmem>>)
        tpu.yield
      }) : () -> ()
      "tpu.region"() ({
        %run_scoped3A = tpu.sem_alloc : memref<!tpu.dma_semaphore, #tpu.memory_space<semaphore_mem>>
        %dma_start3A_52 = arith.constant 0 : i32
        %dma_start3A_53 = tpu.memref_slice %arg6[%mul3A_41, %dma_start3A_52] : memref<320000x32xf32, #tpu.memory_space<hbm>> -> memref<128x32xf32, #tpu.memory_space<hbm>>
        %dma_start3A_54 = arith.constant 0 : i32
        %dma_start3A_55 = tpu.memref_slice %arg6[%mul3A_41, %dma_start3A_54] : memref<320000x32xf32, #tpu.memory_space<hbm>> -> memref<128x32xf32, #tpu.memory_space<hbm>>
        tpu.enqueue_dma source(%dma_start3A_55 : memref<128x32xf32, #tpu.memory_space<hbm>>) target(%arg11 : memref<128x32xf32, #tpu.memory_space<vmem>>) target_semaphore(%run_scoped3A : memref<!tpu.dma_semaphore, #tpu.memory_space<semaphore_mem>>)
        %dma_wait3A_56 = arith.constant 0 : i32
        %dma_wait3A_57 = tpu.memref_slice %arg6[%mul3A_41, %dma_wait3A_56] : memref<320000x32xf32, #tpu.memory_space<hbm>> -> memref<128x32xf32, #tpu.memory_space<hbm>>
        %dma_wait3A_58 = arith.constant 0 : i32
        %dma_wait3A_59 = tpu.memref_slice %arg6[%mul3A_41, %dma_wait3A_58] : memref<320000x32xf32, #tpu.memory_space<hbm>> -> memref<128x32xf32, #tpu.memory_space<hbm>>
        tpu.wait_dma2 semaphore(%run_scoped3A : memref<!tpu.dma_semaphore, #tpu.memory_space<semaphore_mem>>) src(%dma_wait3A_59 : memref<128x32xf32, #tpu.memory_space<hbm>>) dst(%arg11 : memref<128x32xf32, #tpu.memory_space<vmem>>)
        tpu.yield
      }) : () -> ()
      "tpu.region"() ({
        %run_scoped3A = tpu.sem_alloc : memref<!tpu.dma_semaphore, #tpu.memory_space<semaphore_mem>>
        %dma_start3A_52 = arith.constant 0 : i32
        %dma_start3A_53 = tpu.memref_slice %arg5[%mul3A_41, %dma_start3A_52] : memref<320000x4xf32, #tpu.memory_space<hbm>> -> memref<128x4xf32, #tpu.memory_space<hbm>>
        %dma_start3A_54 = arith.constant 0 : i32
        %dma_start3A_55 = tpu.memref_slice %arg5[%mul3A_41, %dma_start3A_54] : memref<320000x4xf32, #tpu.memory_space<hbm>> -> memref<128x4xf32, #tpu.memory_space<hbm>>
        tpu.enqueue_dma source(%dma_start3A_55 : memref<128x4xf32, #tpu.memory_space<hbm>>) target(%arg12 : memref<128x4xf32, #tpu.memory_space<vmem>>) target_semaphore(%run_scoped3A : memref<!tpu.dma_semaphore, #tpu.memory_space<semaphore_mem>>)
        %dma_wait3A_56 = arith.constant 0 : i32
        %dma_wait3A_57 = tpu.memref_slice %arg5[%mul3A_41, %dma_wait3A_56] : memref<320000x4xf32, #tpu.memory_space<hbm>> -> memref<128x4xf32, #tpu.memory_space<hbm>>
        %dma_wait3A_58 = arith.constant 0 : i32
        %dma_wait3A_59 = tpu.memref_slice %arg5[%mul3A_41, %dma_wait3A_58] : memref<320000x4xf32, #tpu.memory_space<hbm>> -> memref<128x4xf32, #tpu.memory_space<hbm>>
        tpu.wait_dma2 semaphore(%run_scoped3A : memref<!tpu.dma_semaphore, #tpu.memory_space<semaphore_mem>>) src(%dma_wait3A_59 : memref<128x4xf32, #tpu.memory_space<hbm>>) dst(%arg12 : memref<128x4xf32, #tpu.memory_space<vmem>>)
        tpu.yield
      }) : () -> ()
      %dma_wait3A = arith.constant 0 : i32
      %dma_wait3A_44 = arith.constant 0 : i32
      %dma_wait3A_45 = tpu.memref_slice %arg2[%dma_wait3A, %dma_wait3A_44] : memref<10000x32xf32, #tpu.memory_space<hbm>> -> memref<10000x32xf32, #tpu.memory_space<hbm>>
      tpu.wait_indirect_dma semaphore(%arg16 : memref<!tpu.dma_semaphore, #tpu.memory_space<semaphore_mem>>) src(%dma_wait3A_45 : memref<10000x32xf32, #tpu.memory_space<hbm>>) dst(%arg10 : memref<128x32xf32, #tpu.memory_space<vmem>>)
      %scan3A_46 = arith.constant 0 : i32
      %scan3A_47 = arith.constant 0 : i32
      %scan3A_48 = arith.constant 8 : i32
      %scan3A_49 = arith.addi %scan3A_47, %scan3A_48 : i32
      %scan3A_50 = arith.constant 1 : i32
      scf.for %scan3A_52 = %scan3A_47 to %scan3A_49 step %scan3A_50  : i32 {
        %iota3A = tpu.iota {dimensions = array<i32: 0>} : vector<16xi32>
        %mul3A_53 = arith.constant 16 : i32
        %mul3A_54 = arith.muli %scan3A_52, %mul3A_53 : i32
        %add3A_55 = vector.broadcast %mul3A_54 : i32 to vector<16xi32>
        %add3A_56 = arith.addi %iota3A, %add3A_55 : vector<16xi32>
        %broadcast_in_dim3A_57 = arith.constant 0 : i32
        %broadcast_in_dim3A_58 = vector.broadcast %broadcast_in_dim3A_57 : i32 to vector<16xi32>
        %gather3A = tpu.vector_load_idx %arg12[%add3A_56, %broadcast_in_dim3A_58] : memref<128x4xf32, #tpu.memory_space<vmem>>[vector<16xi32>, vector<16xi32>], vector<16xf32>,
        %broadcast_in_dim3A_59 = arith.constant 1 : i32
        %broadcast_in_dim3A_60 = vector.broadcast %broadcast_in_dim3A_59 : i32 to vector<16xi32>
        %gather3A_61 = tpu.vector_load_idx %arg12[%add3A_56, %broadcast_in_dim3A_60] : memref<128x4xf32, #tpu.memory_space<vmem>>[vector<16xi32>, vector<16xi32>], vector<16xf32>,
        %broadcast_in_dim3A_62 = arith.constant 2 : i32
        %broadcast_in_dim3A_63 = vector.broadcast %broadcast_in_dim3A_62 : i32 to vector<16xi32>
        %gather3A_64 = tpu.vector_load_idx %arg12[%add3A_56, %broadcast_in_dim3A_63] : memref<128x4xf32, #tpu.memory_space<vmem>>[vector<16xi32>, vector<16xi32>], vector<16xf32>,
        %broadcast_in_dim3A_65 = arith.constant 3 : i32
        %broadcast_in_dim3A_66 = vector.broadcast %broadcast_in_dim3A_65 : i32 to vector<16xi32>
        %gather3A_67 = tpu.vector_load_idx %arg12[%add3A_56, %broadcast_in_dim3A_66] : memref<128x4xf32, #tpu.memory_space<vmem>>[vector<16xi32>, vector<16xi32>], vector<16xf32>,
        %broadcast_in_dim3A_68 = arith.constant 0 : i32
        %broadcast_in_dim3A_69 = vector.broadcast %broadcast_in_dim3A_68 : i32 to vector<16xi32>
        %gather3A_70 = tpu.vector_load_idx %arg10[%add3A_56, %broadcast_in_dim3A_69] : memref<128x32xf32, #tpu.memory_space<vmem>>[vector<16xi32>, vector<16xi32>], vector<16xf32>,
        %broadcast_in_dim3A_71 = arith.constant 8 : i32
        %broadcast_in_dim3A_72 = vector.broadcast %broadcast_in_dim3A_71 : i32 to vector<16xi32>
        %gather3A_73 = tpu.vector_load_idx %arg10[%add3A_56, %broadcast_in_dim3A_72] : memref<128x32xf32, #tpu.memory_space<vmem>>[vector<16xi32>, vector<16xi32>], vector<16xf32>,
        %broadcast_in_dim3A_74 = arith.constant 16 : i32
        %broadcast_in_dim3A_75 = vector.broadcast %broadcast_in_dim3A_74 : i32 to vector<16xi32>
        %gather3A_76 = tpu.vector_load_idx %arg10[%add3A_56, %broadcast_in_dim3A_75] : memref<128x32xf32, #tpu.memory_space<vmem>>[vector<16xi32>, vector<16xi32>], vector<16xf32>,
        %broadcast_in_dim3A_77 = arith.constant 24 : i32
        %broadcast_in_dim3A_78 = vector.broadcast %broadcast_in_dim3A_77 : i32 to vector<16xi32>
        %gather3A_79 = tpu.vector_load_idx %arg10[%add3A_56, %broadcast_in_dim3A_78] : memref<128x32xf32, #tpu.memory_space<vmem>>[vector<16xi32>, vector<16xi32>], vector<16xf32>,
        %broadcast_in_dim3A_80 = arith.constant 0 : i32
        %broadcast_in_dim3A_81 = vector.broadcast %broadcast_in_dim3A_80 : i32 to vector<16xi32>
        %gather3A_82 = tpu.vector_load_idx %arg11[%add3A_56, %broadcast_in_dim3A_81] : memref<128x32xf32, #tpu.memory_space<vmem>>[vector<16xi32>, vector<16xi32>], vector<16xf32>,
        %broadcast_in_dim3A_83 = arith.constant 8 : i32
        %broadcast_in_dim3A_84 = vector.broadcast %broadcast_in_dim3A_83 : i32 to vector<16xi32>
        %gather3A_85 = tpu.vector_load_idx %arg11[%add3A_56, %broadcast_in_dim3A_84] : memref<128x32xf32, #tpu.memory_space<vmem>>[vector<16xi32>, vector<16xi32>], vector<16xf32>,
        %broadcast_in_dim3A_86 = arith.constant 16 : i32
        %broadcast_in_dim3A_87 = vector.broadcast %broadcast_in_dim3A_86 : i32 to vector<16xi32>
        %gather3A_88 = tpu.vector_load_idx %arg11[%add3A_56, %broadcast_in_dim3A_87] : memref<128x32xf32, #tpu.memory_space<vmem>>[vector<16xi32>, vector<16xi32>], vector<16xf32>,
        %broadcast_in_dim3A_89 = arith.constant 24 : i32
        %broadcast_in_dim3A_90 = vector.broadcast %broadcast_in_dim3A_89 : i32 to vector<16xi32>
        %gather3A_91 = tpu.vector_load_idx %arg11[%add3A_56, %broadcast_in_dim3A_90] : memref<128x32xf32, #tpu.memory_space<vmem>>[vector<16xi32>, vector<16xi32>], vector<16xf32>,
        %mul3A_92 = arith.mulf %gather3A_70, %gather3A : vector<16xf32>
        %mul3A_93 = arith.mulf %mul3A_92, %gather3A_82 : vector<16xf32>
        %broadcast_in_dim3A_94 = arith.constant 0 : i32
        %broadcast_in_dim3A_95 = vector.broadcast %broadcast_in_dim3A_94 : i32 to vector<16xi32>
        tpu.vector_store_idx %arg13[%add3A_56, %broadcast_in_dim3A_95], %mul3A_93 : memref<128x64xf32, #tpu.memory_space<vmem>>[vector<16xi32>, vector<16xi32>], vector<16xf32>,
        %mul3A_96 = arith.mulf %gather3A_73, %gather3A_61 : vector<16xf32>
        %mul3A_97 = arith.mulf %gather3A_76, %gather3A_64 : vector<16xf32>
        %add3A_98 = arith.addf %mul3A_96, %mul3A_97 : vector<16xf32>
        %mul3A_99 = arith.mulf %gather3A_79, %gather3A_67 : vector<16xf32>
        %add3A_100 = arith.addf %add3A_98, %mul3A_99 : vector<16xf32>
        %mul3A_101 = arith.mulf %add3A_100, %gather3A_85 : vector<16xf32>
        %broadcast_in_dim3A_102 = arith.constant 8 : i32
        %broadcast_in_dim3A_103 = vector.broadcast %broadcast_in_dim3A_102 : i32 to vector<16xi32>
        tpu.vector_store_idx %arg13[%add3A_56, %broadcast_in_dim3A_103], %mul3A_101 : memref<128x64xf32, #tpu.memory_space<vmem>>[vector<16xi32>, vector<16xi32>], vector<16xf32>,
        %mul3A_104 = arith.mulf %gather3A_70, %gather3A_88 : vector<16xf32>
        %mul3A_105 = arith.mulf %gather3A, %gather3A_91 : vector<16xf32>
        %mul3A_106 = arith.mulf %mul3A_104, %gather3A_61 : vector<16xf32>
        %broadcast_in_dim3A_107 = arith.constant 16 : i32
        %broadcast_in_dim3A_108 = vector.broadcast %broadcast_in_dim3A_107 : i32 to vector<16xi32>
        tpu.vector_store_idx %arg13[%add3A_56, %broadcast_in_dim3A_108], %mul3A_106 : memref<128x64xf32, #tpu.memory_space<vmem>>[vector<16xi32>, vector<16xi32>], vector<16xf32>,
        %mul3A_109 = arith.mulf %gather3A_73, %mul3A_105 : vector<16xf32>
        %broadcast_in_dim3A_110 = arith.constant 24 : i32
        %broadcast_in_dim3A_111 = vector.broadcast %broadcast_in_dim3A_110 : i32 to vector<16xi32>
        tpu.vector_store_idx %arg13[%add3A_56, %broadcast_in_dim3A_111], %mul3A_109 : memref<128x64xf32, #tpu.memory_space<vmem>>[vector<16xi32>, vector<16xi32>], vector<16xf32>,
        %mul3A_112 = arith.mulf %mul3A_104, %gather3A_64 : vector<16xf32>
        %broadcast_in_dim3A_113 = arith.constant 32 : i32
        %broadcast_in_dim3A_114 = vector.broadcast %broadcast_in_dim3A_113 : i32 to vector<16xi32>
        tpu.vector_store_idx %arg13[%add3A_56, %broadcast_in_dim3A_114], %mul3A_112 : memref<128x64xf32, #tpu.memory_space<vmem>>[vector<16xi32>, vector<16xi32>], vector<16xf32>,
        %mul3A_115 = arith.mulf %gather3A_76, %mul3A_105 : vector<16xf32>
        %broadcast_in_dim3A_116 = arith.constant 40 : i32
        %broadcast_in_dim3A_117 = vector.broadcast %broadcast_in_dim3A_116 : i32 to vector<16xi32>
        tpu.vector_store_idx %arg13[%add3A_56, %broadcast_in_dim3A_117], %mul3A_115 : memref<128x64xf32, #tpu.memory_space<vmem>>[vector<16xi32>, vector<16xi32>], vector<16xf32>,
        %mul3A_118 = arith.mulf %mul3A_104, %gather3A_67 : vector<16xf32>
        %broadcast_in_dim3A_119 = arith.constant 48 : i32
        %broadcast_in_dim3A_120 = vector.broadcast %broadcast_in_dim3A_119 : i32 to vector<16xi32>
        tpu.vector_store_idx %arg13[%add3A_56, %broadcast_in_dim3A_120], %mul3A_118 : memref<128x64xf32, #tpu.memory_space<vmem>>[vector<16xi32>, vector<16xi32>], vector<16xf32>,
        %mul3A_121 = arith.mulf %gather3A_79, %mul3A_105 : vector<16xf32>
        %broadcast_in_dim3A_122 = arith.constant 56 : i32
        %broadcast_in_dim3A_123 = vector.broadcast %broadcast_in_dim3A_122 : i32 to vector<16xi32>
        tpu.vector_store_idx %arg13[%add3A_56, %broadcast_in_dim3A_123], %mul3A_121 : memref<128x64xf32, #tpu.memory_space<vmem>>[vector<16xi32>, vector<16xi32>], vector<16xf32>,
        %broadcast_in_dim3A_124 = arith.constant 1 : i32
        %broadcast_in_dim3A_125 = vector.broadcast %broadcast_in_dim3A_124 : i32 to vector<16xi32>
        %gather3A_126 = tpu.vector_load_idx %arg10[%add3A_56, %broadcast_in_dim3A_125] : memref<128x32xf32, #tpu.memory_space<vmem>>[vector<16xi32>, vector<16xi32>], vector<16xf32>,
        %broadcast_in_dim3A_127 = arith.constant 9 : i32
        %broadcast_in_dim3A_128 = vector.broadcast %broadcast_in_dim3A_127 : i32 to vector<16xi32>
        %gather3A_129 = tpu.vector_load_idx %arg10[%add3A_56, %broadcast_in_dim3A_128] : memref<128x32xf32, #tpu.memory_space<vmem>>[vector<16xi32>, vector<16xi32>], vector<16xf32>,
        %broadcast_in_dim3A_130 = arith.constant 17 : i32
        %broadcast_in_dim3A_131 = vector.broadcast %broadcast_in_dim3A_130 : i32 to vector<16xi32>
        %gather3A_132 = tpu.vector_load_idx %arg10[%add3A_56, %broadcast_in_dim3A_131] : memref<128x32xf32, #tpu.memory_space<vmem>>[vector<16xi32>, vector<16xi32>], vector<16xf32>,
        %broadcast_in_dim3A_133 = arith.constant 25 : i32
        %broadcast_in_dim3A_134 = vector.broadcast %broadcast_in_dim3A_133 : i32 to vector<16xi32>
        %gather3A_135 = tpu.vector_load_idx %arg10[%add3A_56, %broadcast_in_dim3A_134] : memref<128x32xf32, #tpu.memory_space<vmem>>[vector<16xi32>, vector<16xi32>], vector<16xf32>,
        %broadcast_in_dim3A_136 = arith.constant 1 : i32
        %broadcast_in_dim3A_137 = vector.broadcast %broadcast_in_dim3A_136 : i32 to vector<16xi32>
        %gather3A_138 = tpu.vector_load_idx %arg11[%add3A_56, %broadcast_in_dim3A_137] : memref<128x32xf32, #tpu.memory_space<vmem>>[vector<16xi32>, vector<16xi32>], vector<16xf32>,
        %broadcast_in_dim3A_139 = arith.constant 9 : i32
        %broadcast_in_dim3A_140 = vector.broadcast %broadcast_in_dim3A_139 : i32 to vector<16xi32>
        %gather3A_141 = tpu.vector_load_idx %arg11[%add3A_56, %broadcast_in_dim3A_140] : memref<128x32xf32, #tpu.memory_space<vmem>>[vector<16xi32>, vector<16xi32>], vector<16xf32>,
        %broadcast_in_dim3A_142 = arith.constant 17 : i32
        %broadcast_in_dim3A_143 = vector.broadcast %broadcast_in_dim3A_142 : i32 to vector<16xi32>
        %gather3A_144 = tpu.vector_load_idx %arg11[%add3A_56, %broadcast_in_dim3A_143] : memref<128x32xf32, #tpu.memory_space<vmem>>[vector<16xi32>, vector<16xi32>], vector<16xf32>,
        %broadcast_in_dim3A_145 = arith.constant 25 : i32
        %broadcast_in_dim3A_146 = vector.broadcast %broadcast_in_dim3A_145 : i32 to vector<16xi32>
        %gather3A_147 = tpu.vector_load_idx %arg11[%add3A_56, %broadcast_in_dim3A_146] : memref<128x32xf32, #tpu.memory_space<vmem>>[vector<16xi32>, vector<16xi32>], vector<16xf32>,
        %mul3A_148 = arith.mulf %gather3A_126, %gather3A : vector<16xf32>
        %mul3A_149 = arith.mulf %mul3A_148, %gather3A_138 : vector<16xf32>
        %broadcast_in_dim3A_150 = arith.constant 1 : i32
        %broadcast_in_dim3A_151 = vector.broadcast %broadcast_in_dim3A_150 : i32 to vector<16xi32>
        tpu.vector_store_idx %arg13[%add3A_56, %broadcast_in_dim3A_151], %mul3A_149 : memref<128x64xf32, #tpu.memory_space<vmem>>[vector<16xi32>, vector<16xi32>], vector<16xf32>,
        %mul3A_152 = arith.mulf %gather3A_129, %gather3A_61 : vector<16xf32>
        %mul3A_153 = arith.mulf %gather3A_132, %gather3A_64 : vector<16xf32>
        %add3A_154 = arith.addf %mul3A_152, %mul3A_153 : vector<16xf32>
        %mul3A_155 = arith.mulf %gather3A_135, %gather3A_67 : vector<16xf32>
        %add3A_156 = arith.addf %add3A_154, %mul3A_155 : vector<16xf32>
        %mul3A_157 = arith.mulf %add3A_156, %gather3A_141 : vector<16xf32>
        %broadcast_in_dim3A_158 = arith.constant 9 : i32
        %broadcast_in_dim3A_159 = vector.broadcast %broadcast_in_dim3A_158 : i32 to vector<16xi32>
        tpu.vector_store_idx %arg13[%add3A_56, %broadcast_in_dim3A_159], %mul3A_157 : memref<128x64xf32, #tpu.memory_space<vmem>>[vector<16xi32>, vector<16xi32>], vector<16xf32>,
        %mul3A_160 = arith.mulf %gather3A_126, %gather3A_144 : vector<16xf32>
        %mul3A_161 = arith.mulf %gather3A, %gather3A_147 : vector<16xf32>
        %mul3A_162 = arith.mulf %mul3A_160, %gather3A_61 : vector<16xf32>
        %broadcast_in_dim3A_163 = arith.constant 17 : i32
        %broadcast_in_dim3A_164 = vector.broadcast %broadcast_in_dim3A_163 : i32 to vector<16xi32>
        tpu.vector_store_idx %arg13[%add3A_56, %broadcast_in_dim3A_164], %mul3A_162 : memref<128x64xf32, #tpu.memory_space<vmem>>[vector<16xi32>, vector<16xi32>], vector<16xf32>,
        %mul3A_165 = arith.mulf %gather3A_129, %mul3A_161 : vector<16xf32>
        %broadcast_in_dim3A_166 = arith.constant 25 : i32
        %broadcast_in_dim3A_167 = vector.broadcast %broadcast_in_dim3A_166 : i32 to vector<16xi32>
        tpu.vector_store_idx %arg13[%add3A_56, %broadcast_in_dim3A_167], %mul3A_165 : memref<128x64xf32, #tpu.memory_space<vmem>>[vector<16xi32>, vector<16xi32>], vector<16xf32>,
        %mul3A_168 = arith.mulf %mul3A_160, %gather3A_64 : vector<16xf32>
        %broadcast_in_dim3A_169 = arith.constant 33 : i32
        %broadcast_in_dim3A_170 = vector.broadcast %broadcast_in_dim3A_169 : i32 to vector<16xi32>
        tpu.vector_store_idx %arg13[%add3A_56, %broadcast_in_dim3A_170], %mul3A_168 : memref<128x64xf32, #tpu.memory_space<vmem>>[vector<16xi32>, vector<16xi32>], vector<16xf32>,
        %mul3A_171 = arith.mulf %gather3A_132, %mul3A_161 : vector<16xf32>
        %broadcast_in_dim3A_172 = arith.constant 41 : i32
        %broadcast_in_dim3A_173 = vector.broadcast %broadcast_in_dim3A_172 : i32 to vector<16xi32>
        tpu.vector_store_idx %arg13[%add3A_56, %broadcast_in_dim3A_173], %mul3A_171 : memref<128x64xf32, #tpu.memory_space<vmem>>[vector<16xi32>, vector<16xi32>], vector<16xf32>,
        %mul3A_174 = arith.mulf %mul3A_160, %gather3A_67 : vector<16xf32>
        %broadcast_in_dim3A_175 = arith.constant 49 : i32
        %broadcast_in_dim3A_176 = vector.broadcast %broadcast_in_dim3A_175 : i32 to vector<16xi32>
        tpu.vector_store_idx %arg13[%add3A_56, %broadcast_in_dim3A_176], %mul3A_174 : memref<128x64xf32, #tpu.memory_space<vmem>>[vector<16xi32>, vector<16xi32>], vector<16xf32>,
        %mul3A_177 = arith.mulf %gather3A_135, %mul3A_161 : vector<16xf32>
        %broadcast_in_dim3A_178 = arith.constant 57 : i32
        %broadcast_in_dim3A_179 = vector.broadcast %broadcast_in_dim3A_178 : i32 to vector<16xi32>
        tpu.vector_store_idx %arg13[%add3A_56, %broadcast_in_dim3A_179], %mul3A_177 : memref<128x64xf32, #tpu.memory_space<vmem>>[vector<16xi32>, vector<16xi32>], vector<16xf32>,
        %broadcast_in_dim3A_180 = arith.constant 2 : i32
        %broadcast_in_dim3A_181 = vector.broadcast %broadcast_in_dim3A_180 : i32 to vector<16xi32>
        %gather3A_182 = tpu.vector_load_idx %arg10[%add3A_56, %broadcast_in_dim3A_181] : memref<128x32xf32, #tpu.memory_space<vmem>>[vector<16xi32>, vector<16xi32>], vector<16xf32>,
        %broadcast_in_dim3A_183 = arith.constant 10 : i32
        %broadcast_in_dim3A_184 = vector.broadcast %broadcast_in_dim3A_183 : i32 to vector<16xi32>
        %gather3A_185 = tpu.vector_load_idx %arg10[%add3A_56, %broadcast_in_dim3A_184] : memref<128x32xf32, #tpu.memory_space<vmem>>[vector<16xi32>, vector<16xi32>], vector<16xf32>,
        %broadcast_in_dim3A_186 = arith.constant 18 : i32
        %broadcast_in_dim3A_187 = vector.broadcast %broadcast_in_dim3A_186 : i32 to vector<16xi32>
        %gather3A_188 = tpu.vector_load_idx %arg10[%add3A_56, %broadcast_in_dim3A_187] : memref<128x32xf32, #tpu.memory_space<vmem>>[vector<16xi32>, vector<16xi32>], vector<16xf32>,
        %broadcast_in_dim3A_189 = arith.constant 26 : i32
        %broadcast_in_dim3A_190 = vector.broadcast %broadcast_in_dim3A_189 : i32 to vector<16xi32>
        %gather3A_191 = tpu.vector_load_idx %arg10[%add3A_56, %broadcast_in_dim3A_190] : memref<128x32xf32, #tpu.memory_space<vmem>>[vector<16xi32>, vector<16xi32>], vector<16xf32>,
        %broadcast_in_dim3A_192 = arith.constant 2 : i32
        %broadcast_in_dim3A_193 = vector.broadcast %broadcast_in_dim3A_192 : i32 to vector<16xi32>
        %gather3A_194 = tpu.vector_load_idx %arg11[%add3A_56, %broadcast_in_dim3A_193] : memref<128x32xf32, #tpu.memory_space<vmem>>[vector<16xi32>, vector<16xi32>], vector<16xf32>,
        %broadcast_in_dim3A_195 = arith.constant 10 : i32
        %broadcast_in_dim3A_196 = vector.broadcast %broadcast_in_dim3A_195 : i32 to vector<16xi32>
        %gather3A_197 = tpu.vector_load_idx %arg11[%add3A_56, %broadcast_in_dim3A_196] : memref<128x32xf32, #tpu.memory_space<vmem>>[vector<16xi32>, vector<16xi32>], vector<16xf32>,
        %broadcast_in_dim3A_198 = arith.constant 18 : i32
        %broadcast_in_dim3A_199 = vector.broadcast %broadcast_in_dim3A_198 : i32 to vector<16xi32>
        %gather3A_200 = tpu.vector_load_idx %arg11[%add3A_56, %broadcast_in_dim3A_199] : memref<128x32xf32, #tpu.memory_space<vmem>>[vector<16xi32>, vector<16xi32>], vector<16xf32>,
        %broadcast_in_dim3A_201 = arith.constant 26 : i32
        %broadcast_in_dim3A_202 = vector.broadcast %broadcast_in_dim3A_201 : i32 to vector<16xi32>
        %gather3A_203 = tpu.vector_load_idx %arg11[%add3A_56, %broadcast_in_dim3A_202] : memref<128x32xf32, #tpu.memory_space<vmem>>[vector<16xi32>, vector<16xi32>], vector<16xf32>,
        %mul3A_204 = arith.mulf %gather3A_182, %gather3A : vector<16xf32>
        %mul3A_205 = arith.mulf %mul3A_204, %gather3A_194 : vector<16xf32>
        %broadcast_in_dim3A_206 = arith.constant 2 : i32
        %broadcast_in_dim3A_207 = vector.broadcast %broadcast_in_dim3A_206 : i32 to vector<16xi32>
        tpu.vector_store_idx %arg13[%add3A_56, %broadcast_in_dim3A_207], %mul3A_205 : memref<128x64xf32, #tpu.memory_space<vmem>>[vector<16xi32>, vector<16xi32>], vector<16xf32>,
        %mul3A_208 = arith.mulf %gather3A_185, %gather3A_61 : vector<16xf32>
        %mul3A_209 = arith.mulf %gather3A_188, %gather3A_64 : vector<16xf32>
        %add3A_210 = arith.addf %mul3A_208, %mul3A_209 : vector<16xf32>
        %mul3A_211 = arith.mulf %gather3A_191, %gather3A_67 : vector<16xf32>
        %add3A_212 = arith.addf %add3A_210, %mul3A_211 : vector<16xf32>
        %mul3A_213 = arith.mulf %add3A_212, %gather3A_197 : vector<16xf32>
        %broadcast_in_dim3A_214 = arith.constant 10 : i32
        %broadcast_in_dim3A_215 = vector.broadcast %broadcast_in_dim3A_214 : i32 to vector<16xi32>
        tpu.vector_store_idx %arg13[%add3A_56, %broadcast_in_dim3A_215], %mul3A_213 : memref<128x64xf32, #tpu.memory_space<vmem>>[vector<16xi32>, vector<16xi32>], vector<16xf32>,
        %mul3A_216 = arith.mulf %gather3A_182, %gather3A_200 : vector<16xf32>
        %mul3A_217 = arith.mulf %gather3A, %gather3A_203 : vector<16xf32>
        %mul3A_218 = arith.mulf %mul3A_216, %gather3A_61 : vector<16xf32>
        %broadcast_in_dim3A_219 = arith.constant 18 : i32
        %broadcast_in_dim3A_220 = vector.broadcast %broadcast_in_dim3A_219 : i32 to vector<16xi32>
        tpu.vector_store_idx %arg13[%add3A_56, %broadcast_in_dim3A_220], %mul3A_218 : memref<128x64xf32, #tpu.memory_space<vmem>>[vector<16xi32>, vector<16xi32>], vector<16xf32>,
        %mul3A_221 = arith.mulf %gather3A_185, %mul3A_217 : vector<16xf32>
        %broadcast_in_dim3A_222 = arith.constant 26 : i32
        %broadcast_in_dim3A_223 = vector.broadcast %broadcast_in_dim3A_222 : i32 to vector<16xi32>
        tpu.vector_store_idx %arg13[%add3A_56, %broadcast_in_dim3A_223], %mul3A_221 : memref<128x64xf32, #tpu.memory_space<vmem>>[vector<16xi32>, vector<16xi32>], vector<16xf32>,
        %mul3A_224 = arith.mulf %mul3A_216, %gather3A_64 : vector<16xf32>
        %broadcast_in_dim3A_225 = arith.constant 34 : i32
        %broadcast_in_dim3A_226 = vector.broadcast %broadcast_in_dim3A_225 : i32 to vector<16xi32>
        tpu.vector_store_idx %arg13[%add3A_56, %broadcast_in_dim3A_226], %mul3A_224 : memref<128x64xf32, #tpu.memory_space<vmem>>[vector<16xi32>, vector<16xi32>], vector<16xf32>,
        %mul3A_227 = arith.mulf %gather3A_188, %mul3A_217 : vector<16xf32>
        %broadcast_in_dim3A_228 = arith.constant 42 : i32
        %broadcast_in_dim3A_229 = vector.broadcast %broadcast_in_dim3A_228 : i32 to vector<16xi32>
        tpu.vector_store_idx %arg13[%add3A_56, %broadcast_in_dim3A_229], %mul3A_227 : memref<128x64xf32, #tpu.memory_space<vmem>>[vector<16xi32>, vector<16xi32>], vector<16xf32>,
        %mul3A_230 = arith.mulf %mul3A_216, %gather3A_67 : vector<16xf32>
        %broadcast_in_dim3A_231 = arith.constant 50 : i32
        %broadcast_in_dim3A_232 = vector.broadcast %broadcast_in_dim3A_231 : i32 to vector<16xi32>
        tpu.vector_store_idx %arg13[%add3A_56, %broadcast_in_dim3A_232], %mul3A_230 : memref<128x64xf32, #tpu.memory_space<vmem>>[vector<16xi32>, vector<16xi32>], vector<16xf32>,
        %mul3A_233 = arith.mulf %gather3A_191, %mul3A_217 : vector<16xf32>
        %broadcast_in_dim3A_234 = arith.constant 58 : i32
        %broadcast_in_dim3A_235 = vector.broadcast %broadcast_in_dim3A_234 : i32 to vector<16xi32>
        tpu.vector_store_idx %arg13[%add3A_56, %broadcast_in_dim3A_235], %mul3A_233 : memref<128x64xf32, #tpu.memory_space<vmem>>[vector<16xi32>, vector<16xi32>], vector<16xf32>,
        %broadcast_in_dim3A_236 = arith.constant 3 : i32
        %broadcast_in_dim3A_237 = vector.broadcast %broadcast_in_dim3A_236 : i32 to vector<16xi32>
        %gather3A_238 = tpu.vector_load_idx %arg10[%add3A_56, %broadcast_in_dim3A_237] : memref<128x32xf32, #tpu.memory_space<vmem>>[vector<16xi32>, vector<16xi32>], vector<16xf32>,
        %broadcast_in_dim3A_239 = arith.constant 11 : i32
        %broadcast_in_dim3A_240 = vector.broadcast %broadcast_in_dim3A_239 : i32 to vector<16xi32>
        %gather3A_241 = tpu.vector_load_idx %arg10[%add3A_56, %broadcast_in_dim3A_240] : memref<128x32xf32, #tpu.memory_space<vmem>>[vector<16xi32>, vector<16xi32>], vector<16xf32>,
        %broadcast_in_dim3A_242 = arith.constant 19 : i32
        %broadcast_in_dim3A_243 = vector.broadcast %broadcast_in_dim3A_242 : i32 to vector<16xi32>
        %gather3A_244 = tpu.vector_load_idx %arg10[%add3A_56, %broadcast_in_dim3A_243] : memref<128x32xf32, #tpu.memory_space<vmem>>[vector<16xi32>, vector<16xi32>], vector<16xf32>,
        %broadcast_in_dim3A_245 = arith.constant 27 : i32
        %broadcast_in_dim3A_246 = vector.broadcast %broadcast_in_dim3A_245 : i32 to vector<16xi32>
        %gather3A_247 = tpu.vector_load_idx %arg10[%add3A_56, %broadcast_in_dim3A_246] : memref<128x32xf32, #tpu.memory_space<vmem>>[vector<16xi32>, vector<16xi32>], vector<16xf32>,
        %broadcast_in_dim3A_248 = arith.constant 3 : i32
        %broadcast_in_dim3A_249 = vector.broadcast %broadcast_in_dim3A_248 : i32 to vector<16xi32>
        %gather3A_250 = tpu.vector_load_idx %arg11[%add3A_56, %broadcast_in_dim3A_249] : memref<128x32xf32, #tpu.memory_space<vmem>>[vector<16xi32>, vector<16xi32>], vector<16xf32>,
        %broadcast_in_dim3A_251 = arith.constant 11 : i32
        %broadcast_in_dim3A_252 = vector.broadcast %broadcast_in_dim3A_251 : i32 to vector<16xi32>
        %gather3A_253 = tpu.vector_load_idx %arg11[%add3A_56, %broadcast_in_dim3A_252] : memref<128x32xf32, #tpu.memory_space<vmem>>[vector<16xi32>, vector<16xi32>], vector<16xf32>,
        %broadcast_in_dim3A_254 = arith.constant 19 : i32
        %broadcast_in_dim3A_255 = vector.broadcast %broadcast_in_dim3A_254 : i32 to vector<16xi32>
        %gather3A_256 = tpu.vector_load_idx %arg11[%add3A_56, %broadcast_in_dim3A_255] : memref<128x32xf32, #tpu.memory_space<vmem>>[vector<16xi32>, vector<16xi32>], vector<16xf32>,
        %broadcast_in_dim3A_257 = arith.constant 27 : i32
        %broadcast_in_dim3A_258 = vector.broadcast %broadcast_in_dim3A_257 : i32 to vector<16xi32>
        %gather3A_259 = tpu.vector_load_idx %arg11[%add3A_56, %broadcast_in_dim3A_258] : memref<128x32xf32, #tpu.memory_space<vmem>>[vector<16xi32>, vector<16xi32>], vector<16xf32>,
        %mul3A_260 = arith.mulf %gather3A_238, %gather3A : vector<16xf32>
        %mul3A_261 = arith.mulf %mul3A_260, %gather3A_250 : vector<16xf32>
        %broadcast_in_dim3A_262 = arith.constant 3 : i32
        %broadcast_in_dim3A_263 = vector.broadcast %broadcast_in_dim3A_262 : i32 to vector<16xi32>
        tpu.vector_store_idx %arg13[%add3A_56, %broadcast_in_dim3A_263], %mul3A_261 : memref<128x64xf32, #tpu.memory_space<vmem>>[vector<16xi32>, vector<16xi32>], vector<16xf32>,
        %mul3A_264 = arith.mulf %gather3A_241, %gather3A_61 : vector<16xf32>
        %mul3A_265 = arith.mulf %gather3A_244, %gather3A_64 : vector<16xf32>
        %add3A_266 = arith.addf %mul3A_264, %mul3A_265 : vector<16xf32>
        %mul3A_267 = arith.mulf %gather3A_247, %gather3A_67 : vector<16xf32>
        %add3A_268 = arith.addf %add3A_266, %mul3A_267 : vector<16xf32>
        %mul3A_269 = arith.mulf %add3A_268, %gather3A_253 : vector<16xf32>
        %broadcast_in_dim3A_270 = arith.constant 11 : i32
        %broadcast_in_dim3A_271 = vector.broadcast %broadcast_in_dim3A_270 : i32 to vector<16xi32>
        tpu.vector_store_idx %arg13[%add3A_56, %broadcast_in_dim3A_271], %mul3A_269 : memref<128x64xf32, #tpu.memory_space<vmem>>[vector<16xi32>, vector<16xi32>], vector<16xf32>,
        %mul3A_272 = arith.mulf %gather3A_238, %gather3A_256 : vector<16xf32>
        %mul3A_273 = arith.mulf %gather3A, %gather3A_259 : vector<16xf32>
        %mul3A_274 = arith.mulf %mul3A_272, %gather3A_61 : vector<16xf32>
        %broadcast_in_dim3A_275 = arith.constant 19 : i32
        %broadcast_in_dim3A_276 = vector.broadcast %broadcast_in_dim3A_275 : i32 to vector<16xi32>
        tpu.vector_store_idx %arg13[%add3A_56, %broadcast_in_dim3A_276], %mul3A_274 : memref<128x64xf32, #tpu.memory_space<vmem>>[vector<16xi32>, vector<16xi32>], vector<16xf32>,
        %mul3A_277 = arith.mulf %gather3A_241, %mul3A_273 : vector<16xf32>
        %broadcast_in_dim3A_278 = arith.constant 27 : i32
        %broadcast_in_dim3A_279 = vector.broadcast %broadcast_in_dim3A_278 : i32 to vector<16xi32>
        tpu.vector_store_idx %arg13[%add3A_56, %broadcast_in_dim3A_279], %mul3A_277 : memref<128x64xf32, #tpu.memory_space<vmem>>[vector<16xi32>, vector<16xi32>], vector<16xf32>,
        %mul3A_280 = arith.mulf %mul3A_272, %gather3A_64 : vector<16xf32>
        %broadcast_in_dim3A_281 = arith.constant 35 : i32
        %broadcast_in_dim3A_282 = vector.broadcast %broadcast_in_dim3A_281 : i32 to vector<16xi32>
        tpu.vector_store_idx %arg13[%add3A_56, %broadcast_in_dim3A_282], %mul3A_280 : memref<128x64xf32, #tpu.memory_space<vmem>>[vector<16xi32>, vector<16xi32>], vector<16xf32>,
        %mul3A_283 = arith.mulf %gather3A_244, %mul3A_273 : vector<16xf32>
        %broadcast_in_dim3A_284 = arith.constant 43 : i32
        %broadcast_in_dim3A_285 = vector.broadcast %broadcast_in_dim3A_284 : i32 to vector<16xi32>
        tpu.vector_store_idx %arg13[%add3A_56, %broadcast_in_dim3A_285], %mul3A_283 : memref<128x64xf32, #tpu.memory_space<vmem>>[vector<16xi32>, vector<16xi32>], vector<16xf32>,
        %mul3A_286 = arith.mulf %mul3A_272, %gather3A_67 : vector<16xf32>
        %broadcast_in_dim3A_287 = arith.constant 51 : i32
        %broadcast_in_dim3A_288 = vector.broadcast %broadcast_in_dim3A_287 : i32 to vector<16xi32>
        tpu.vector_store_idx %arg13[%add3A_56, %broadcast_in_dim3A_288], %mul3A_286 : memref<128x64xf32, #tpu.memory_space<vmem>>[vector<16xi32>, vector<16xi32>], vector<16xf32>,
        %mul3A_289 = arith.mulf %gather3A_247, %mul3A_273 : vector<16xf32>
        %broadcast_in_dim3A_290 = arith.constant 59 : i32
        %broadcast_in_dim3A_291 = vector.broadcast %broadcast_in_dim3A_290 : i32 to vector<16xi32>
        tpu.vector_store_idx %arg13[%add3A_56, %broadcast_in_dim3A_291], %mul3A_289 : memref<128x64xf32, #tpu.memory_space<vmem>>[vector<16xi32>, vector<16xi32>], vector<16xf32>,
        %broadcast_in_dim3A_292 = arith.constant 4 : i32
        %broadcast_in_dim3A_293 = vector.broadcast %broadcast_in_dim3A_292 : i32 to vector<16xi32>
        %gather3A_294 = tpu.vector_load_idx %arg10[%add3A_56, %broadcast_in_dim3A_293] : memref<128x32xf32, #tpu.memory_space<vmem>>[vector<16xi32>, vector<16xi32>], vector<16xf32>,
        %broadcast_in_dim3A_295 = arith.constant 12 : i32
        %broadcast_in_dim3A_296 = vector.broadcast %broadcast_in_dim3A_295 : i32 to vector<16xi32>
        %gather3A_297 = tpu.vector_load_idx %arg10[%add3A_56, %broadcast_in_dim3A_296] : memref<128x32xf32, #tpu.memory_space<vmem>>[vector<16xi32>, vector<16xi32>], vector<16xf32>,
        %broadcast_in_dim3A_298 = arith.constant 20 : i32
        %broadcast_in_dim3A_299 = vector.broadcast %broadcast_in_dim3A_298 : i32 to vector<16xi32>
        %gather3A_300 = tpu.vector_load_idx %arg10[%add3A_56, %broadcast_in_dim3A_299] : memref<128x32xf32, #tpu.memory_space<vmem>>[vector<16xi32>, vector<16xi32>], vector<16xf32>,
        %broadcast_in_dim3A_301 = arith.constant 28 : i32
        %broadcast_in_dim3A_302 = vector.broadcast %broadcast_in_dim3A_301 : i32 to vector<16xi32>
        %gather3A_303 = tpu.vector_load_idx %arg10[%add3A_56, %broadcast_in_dim3A_302] : memref<128x32xf32, #tpu.memory_space<vmem>>[vector<16xi32>, vector<16xi32>], vector<16xf32>,
        %broadcast_in_dim3A_304 = arith.constant 4 : i32
        %broadcast_in_dim3A_305 = vector.broadcast %broadcast_in_dim3A_304 : i32 to vector<16xi32>
        %gather3A_306 = tpu.vector_load_idx %arg11[%add3A_56, %broadcast_in_dim3A_305] : memref<128x32xf32, #tpu.memory_space<vmem>>[vector<16xi32>, vector<16xi32>], vector<16xf32>,
        %broadcast_in_dim3A_307 = arith.constant 12 : i32
        %broadcast_in_dim3A_308 = vector.broadcast %broadcast_in_dim3A_307 : i32 to vector<16xi32>
        %gather3A_309 = tpu.vector_load_idx %arg11[%add3A_56, %broadcast_in_dim3A_308] : memref<128x32xf32, #tpu.memory_space<vmem>>[vector<16xi32>, vector<16xi32>], vector<16xf32>,
        %broadcast_in_dim3A_310 = arith.constant 20 : i32
        %broadcast_in_dim3A_311 = vector.broadcast %broadcast_in_dim3A_310 : i32 to vector<16xi32>
        %gather3A_312 = tpu.vector_load_idx %arg11[%add3A_56, %broadcast_in_dim3A_311] : memref<128x32xf32, #tpu.memory_space<vmem>>[vector<16xi32>, vector<16xi32>], vector<16xf32>,
        %broadcast_in_dim3A_313 = arith.constant 28 : i32
        %broadcast_in_dim3A_314 = vector.broadcast %broadcast_in_dim3A_313 : i32 to vector<16xi32>
        %gather3A_315 = tpu.vector_load_idx %arg11[%add3A_56, %broadcast_in_dim3A_314] : memref<128x32xf32, #tpu.memory_space<vmem>>[vector<16xi32>, vector<16xi32>], vector<16xf32>,
        %mul3A_316 = arith.mulf %gather3A_294, %gather3A : vector<16xf32>
        %mul3A_317 = arith.mulf %mul3A_316, %gather3A_306 : vector<16xf32>
        %broadcast_in_dim3A_318 = arith.constant 4 : i32
        %broadcast_in_dim3A_319 = vector.broadcast %broadcast_in_dim3A_318 : i32 to vector<16xi32>
        tpu.vector_store_idx %arg13[%add3A_56, %broadcast_in_dim3A_319], %mul3A_317 : memref<128x64xf32, #tpu.memory_space<vmem>>[vector<16xi32>, vector<16xi32>], vector<16xf32>,
        %mul3A_320 = arith.mulf %gather3A_297, %gather3A_61 : vector<16xf32>
        %mul3A_321 = arith.mulf %gather3A_300, %gather3A_64 : vector<16xf32>
        %add3A_322 = arith.addf %mul3A_320, %mul3A_321 : vector<16xf32>
        %mul3A_323 = arith.mulf %gather3A_303, %gather3A_67 : vector<16xf32>
        %add3A_324 = arith.addf %add3A_322, %mul3A_323 : vector<16xf32>
        %mul3A_325 = arith.mulf %add3A_324, %gather3A_309 : vector<16xf32>
        %broadcast_in_dim3A_326 = arith.constant 12 : i32
        %broadcast_in_dim3A_327 = vector.broadcast %broadcast_in_dim3A_326 : i32 to vector<16xi32>
        tpu.vector_store_idx %arg13[%add3A_56, %broadcast_in_dim3A_327], %mul3A_325 : memref<128x64xf32, #tpu.memory_space<vmem>>[vector<16xi32>, vector<16xi32>], vector<16xf32>,
        %mul3A_328 = arith.mulf %gather3A_294, %gather3A_312 : vector<16xf32>
        %mul3A_329 = arith.mulf %gather3A, %gather3A_315 : vector<16xf32>
        %mul3A_330 = arith.mulf %mul3A_328, %gather3A_61 : vector<16xf32>
        %broadcast_in_dim3A_331 = arith.constant 20 : i32
        %broadcast_in_dim3A_332 = vector.broadcast %broadcast_in_dim3A_331 : i32 to vector<16xi32>
        tpu.vector_store_idx %arg13[%add3A_56, %broadcast_in_dim3A_332], %mul3A_330 : memref<128x64xf32, #tpu.memory_space<vmem>>[vector<16xi32>, vector<16xi32>], vector<16xf32>,
        %mul3A_333 = arith.mulf %gather3A_297, %mul3A_329 : vector<16xf32>
        %broadcast_in_dim3A_334 = arith.constant 28 : i32
        %broadcast_in_dim3A_335 = vector.broadcast %broadcast_in_dim3A_334 : i32 to vector<16xi32>
        tpu.vector_store_idx %arg13[%add3A_56, %broadcast_in_dim3A_335], %mul3A_333 : memref<128x64xf32, #tpu.memory_space<vmem>>[vector<16xi32>, vector<16xi32>], vector<16xf32>,
        %mul3A_336 = arith.mulf %mul3A_328, %gather3A_64 : vector<16xf32>
        %broadcast_in_dim3A_337 = arith.constant 36 : i32
        %broadcast_in_dim3A_338 = vector.broadcast %broadcast_in_dim3A_337 : i32 to vector<16xi32>
        tpu.vector_store_idx %arg13[%add3A_56, %broadcast_in_dim3A_338], %mul3A_336 : memref<128x64xf32, #tpu.memory_space<vmem>>[vector<16xi32>, vector<16xi32>], vector<16xf32>,
        %mul3A_339 = arith.mulf %gather3A_300, %mul3A_329 : vector<16xf32>
        %broadcast_in_dim3A_340 = arith.constant 44 : i32
        %broadcast_in_dim3A_341 = vector.broadcast %broadcast_in_dim3A_340 : i32 to vector<16xi32>
        tpu.vector_store_idx %arg13[%add3A_56, %broadcast_in_dim3A_341], %mul3A_339 : memref<128x64xf32, #tpu.memory_space<vmem>>[vector<16xi32>, vector<16xi32>], vector<16xf32>,
        %mul3A_342 = arith.mulf %mul3A_328, %gather3A_67 : vector<16xf32>
        %broadcast_in_dim3A_343 = arith.constant 52 : i32
        %broadcast_in_dim3A_344 = vector.broadcast %broadcast_in_dim3A_343 : i32 to vector<16xi32>
        tpu.vector_store_idx %arg13[%add3A_56, %broadcast_in_dim3A_344], %mul3A_342 : memref<128x64xf32, #tpu.memory_space<vmem>>[vector<16xi32>, vector<16xi32>], vector<16xf32>,
        %mul3A_345 = arith.mulf %gather3A_303, %mul3A_329 : vector<16xf32>
        %broadcast_in_dim3A_346 = arith.constant 60 : i32
        %broadcast_in_dim3A_347 = vector.broadcast %broadcast_in_dim3A_346 : i32 to vector<16xi32>
        tpu.vector_store_idx %arg13[%add3A_56, %broadcast_in_dim3A_347], %mul3A_345 : memref<128x64xf32, #tpu.memory_space<vmem>>[vector<16xi32>, vector<16xi32>], vector<16xf32>,
        %broadcast_in_dim3A_348 = arith.constant 5 : i32
        %broadcast_in_dim3A_349 = vector.broadcast %broadcast_in_dim3A_348 : i32 to vector<16xi32>
        %gather3A_350 = tpu.vector_load_idx %arg10[%add3A_56, %broadcast_in_dim3A_349] : memref<128x32xf32, #tpu.memory_space<vmem>>[vector<16xi32>, vector<16xi32>], vector<16xf32>,
        %broadcast_in_dim3A_351 = arith.constant 13 : i32
        %broadcast_in_dim3A_352 = vector.broadcast %broadcast_in_dim3A_351 : i32 to vector<16xi32>
        %gather3A_353 = tpu.vector_load_idx %arg10[%add3A_56, %broadcast_in_dim3A_352] : memref<128x32xf32, #tpu.memory_space<vmem>>[vector<16xi32>, vector<16xi32>], vector<16xf32>,
        %broadcast_in_dim3A_354 = arith.constant 21 : i32
        %broadcast_in_dim3A_355 = vector.broadcast %broadcast_in_dim3A_354 : i32 to vector<16xi32>
        %gather3A_356 = tpu.vector_load_idx %arg10[%add3A_56, %broadcast_in_dim3A_355] : memref<128x32xf32, #tpu.memory_space<vmem>>[vector<16xi32>, vector<16xi32>], vector<16xf32>,
        %broadcast_in_dim3A_357 = arith.constant 29 : i32
        %broadcast_in_dim3A_358 = vector.broadcast %broadcast_in_dim3A_357 : i32 to vector<16xi32>
        %gather3A_359 = tpu.vector_load_idx %arg10[%add3A_56, %broadcast_in_dim3A_358] : memref<128x32xf32, #tpu.memory_space<vmem>>[vector<16xi32>, vector<16xi32>], vector<16xf32>,
        %broadcast_in_dim3A_360 = arith.constant 5 : i32
        %broadcast_in_dim3A_361 = vector.broadcast %broadcast_in_dim3A_360 : i32 to vector<16xi32>
        %gather3A_362 = tpu.vector_load_idx %arg11[%add3A_56, %broadcast_in_dim3A_361] : memref<128x32xf32, #tpu.memory_space<vmem>>[vector<16xi32>, vector<16xi32>], vector<16xf32>,
        %broadcast_in_dim3A_363 = arith.constant 13 : i32
        %broadcast_in_dim3A_364 = vector.broadcast %broadcast_in_dim3A_363 : i32 to vector<16xi32>
        %gather3A_365 = tpu.vector_load_idx %arg11[%add3A_56, %broadcast_in_dim3A_364] : memref<128x32xf32, #tpu.memory_space<vmem>>[vector<16xi32>, vector<16xi32>], vector<16xf32>,
        %broadcast_in_dim3A_366 = arith.constant 21 : i32
        %broadcast_in_dim3A_367 = vector.broadcast %broadcast_in_dim3A_366 : i32 to vector<16xi32>
        %gather3A_368 = tpu.vector_load_idx %arg11[%add3A_56, %broadcast_in_dim3A_367] : memref<128x32xf32, #tpu.memory_space<vmem>>[vector<16xi32>, vector<16xi32>], vector<16xf32>,
        %broadcast_in_dim3A_369 = arith.constant 29 : i32
        %broadcast_in_dim3A_370 = vector.broadcast %broadcast_in_dim3A_369 : i32 to vector<16xi32>
        %gather3A_371 = tpu.vector_load_idx %arg11[%add3A_56, %broadcast_in_dim3A_370] : memref<128x32xf32, #tpu.memory_space<vmem>>[vector<16xi32>, vector<16xi32>], vector<16xf32>,
        %mul3A_372 = arith.mulf %gather3A_350, %gather3A : vector<16xf32>
        %mul3A_373 = arith.mulf %mul3A_372, %gather3A_362 : vector<16xf32>
        %broadcast_in_dim3A_374 = arith.constant 5 : i32
        %broadcast_in_dim3A_375 = vector.broadcast %broadcast_in_dim3A_374 : i32 to vector<16xi32>
        tpu.vector_store_idx %arg13[%add3A_56, %broadcast_in_dim3A_375], %mul3A_373 : memref<128x64xf32, #tpu.memory_space<vmem>>[vector<16xi32>, vector<16xi32>], vector<16xf32>,
        %mul3A_376 = arith.mulf %gather3A_353, %gather3A_61 : vector<16xf32>
        %mul3A_377 = arith.mulf %gather3A_356, %gather3A_64 : vector<16xf32>
        %add3A_378 = arith.addf %mul3A_376, %mul3A_377 : vector<16xf32>
        %mul3A_379 = arith.mulf %gather3A_359, %gather3A_67 : vector<16xf32>
        %add3A_380 = arith.addf %add3A_378, %mul3A_379 : vector<16xf32>
        %mul3A_381 = arith.mulf %add3A_380, %gather3A_365 : vector<16xf32>
        %broadcast_in_dim3A_382 = arith.constant 13 : i32
        %broadcast_in_dim3A_383 = vector.broadcast %broadcast_in_dim3A_382 : i32 to vector<16xi32>
        tpu.vector_store_idx %arg13[%add3A_56, %broadcast_in_dim3A_383], %mul3A_381 : memref<128x64xf32, #tpu.memory_space<vmem>>[vector<16xi32>, vector<16xi32>], vector<16xf32>,
        %mul3A_384 = arith.mulf %gather3A_350, %gather3A_368 : vector<16xf32>
        %mul3A_385 = arith.mulf %gather3A, %gather3A_371 : vector<16xf32>
        %mul3A_386 = arith.mulf %mul3A_384, %gather3A_61 : vector<16xf32>
        %broadcast_in_dim3A_387 = arith.constant 21 : i32
        %broadcast_in_dim3A_388 = vector.broadcast %broadcast_in_dim3A_387 : i32 to vector<16xi32>
        tpu.vector_store_idx %arg13[%add3A_56, %broadcast_in_dim3A_388], %mul3A_386 : memref<128x64xf32, #tpu.memory_space<vmem>>[vector<16xi32>, vector<16xi32>], vector<16xf32>,
        %mul3A_389 = arith.mulf %gather3A_353, %mul3A_385 : vector<16xf32>
        %broadcast_in_dim3A_390 = arith.constant 29 : i32
        %broadcast_in_dim3A_391 = vector.broadcast %broadcast_in_dim3A_390 : i32 to vector<16xi32>
        tpu.vector_store_idx %arg13[%add3A_56, %broadcast_in_dim3A_391], %mul3A_389 : memref<128x64xf32, #tpu.memory_space<vmem>>[vector<16xi32>, vector<16xi32>], vector<16xf32>,
        %mul3A_392 = arith.mulf %mul3A_384, %gather3A_64 : vector<16xf32>
        %broadcast_in_dim3A_393 = arith.constant 37 : i32
        %broadcast_in_dim3A_394 = vector.broadcast %broadcast_in_dim3A_393 : i32 to vector<16xi32>
        tpu.vector_store_idx %arg13[%add3A_56, %broadcast_in_dim3A_394], %mul3A_392 : memref<128x64xf32, #tpu.memory_space<vmem>>[vector<16xi32>, vector<16xi32>], vector<16xf32>,
        %mul3A_395 = arith.mulf %gather3A_356, %mul3A_385 : vector<16xf32>
        %broadcast_in_dim3A_396 = arith.constant 45 : i32
        %broadcast_in_dim3A_397 = vector.broadcast %broadcast_in_dim3A_396 : i32 to vector<16xi32>
        tpu.vector_store_idx %arg13[%add3A_56, %broadcast_in_dim3A_397], %mul3A_395 : memref<128x64xf32, #tpu.memory_space<vmem>>[vector<16xi32>, vector<16xi32>], vector<16xf32>,
        %mul3A_398 = arith.mulf %mul3A_384, %gather3A_67 : vector<16xf32>
        %broadcast_in_dim3A_399 = arith.constant 53 : i32
        %broadcast_in_dim3A_400 = vector.broadcast %broadcast_in_dim3A_399 : i32 to vector<16xi32>
        tpu.vector_store_idx %arg13[%add3A_56, %broadcast_in_dim3A_400], %mul3A_398 : memref<128x64xf32, #tpu.memory_space<vmem>>[vector<16xi32>, vector<16xi32>], vector<16xf32>,
        %mul3A_401 = arith.mulf %gather3A_359, %mul3A_385 : vector<16xf32>
        %broadcast_in_dim3A_402 = arith.constant 61 : i32
        %broadcast_in_dim3A_403 = vector.broadcast %broadcast_in_dim3A_402 : i32 to vector<16xi32>
        tpu.vector_store_idx %arg13[%add3A_56, %broadcast_in_dim3A_403], %mul3A_401 : memref<128x64xf32, #tpu.memory_space<vmem>>[vector<16xi32>, vector<16xi32>], vector<16xf32>,
        %broadcast_in_dim3A_404 = arith.constant 6 : i32
        %broadcast_in_dim3A_405 = vector.broadcast %broadcast_in_dim3A_404 : i32 to vector<16xi32>
        %gather3A_406 = tpu.vector_load_idx %arg10[%add3A_56, %broadcast_in_dim3A_405] : memref<128x32xf32, #tpu.memory_space<vmem>>[vector<16xi32>, vector<16xi32>], vector<16xf32>,
        %broadcast_in_dim3A_407 = arith.constant 14 : i32
        %broadcast_in_dim3A_408 = vector.broadcast %broadcast_in_dim3A_407 : i32 to vector<16xi32>
        %gather3A_409 = tpu.vector_load_idx %arg10[%add3A_56, %broadcast_in_dim3A_408] : memref<128x32xf32, #tpu.memory_space<vmem>>[vector<16xi32>, vector<16xi32>], vector<16xf32>,
        %broadcast_in_dim3A_410 = arith.constant 22 : i32
        %broadcast_in_dim3A_411 = vector.broadcast %broadcast_in_dim3A_410 : i32 to vector<16xi32>
        %gather3A_412 = tpu.vector_load_idx %arg10[%add3A_56, %broadcast_in_dim3A_411] : memref<128x32xf32, #tpu.memory_space<vmem>>[vector<16xi32>, vector<16xi32>], vector<16xf32>,
        %broadcast_in_dim3A_413 = arith.constant 30 : i32
        %broadcast_in_dim3A_414 = vector.broadcast %broadcast_in_dim3A_413 : i32 to vector<16xi32>
        %gather3A_415 = tpu.vector_load_idx %arg10[%add3A_56, %broadcast_in_dim3A_414] : memref<128x32xf32, #tpu.memory_space<vmem>>[vector<16xi32>, vector<16xi32>], vector<16xf32>,
        %broadcast_in_dim3A_416 = arith.constant 6 : i32
        %broadcast_in_dim3A_417 = vector.broadcast %broadcast_in_dim3A_416 : i32 to vector<16xi32>
        %gather3A_418 = tpu.vector_load_idx %arg11[%add3A_56, %broadcast_in_dim3A_417] : memref<128x32xf32, #tpu.memory_space<vmem>>[vector<16xi32>, vector<16xi32>], vector<16xf32>,
        %broadcast_in_dim3A_419 = arith.constant 14 : i32
        %broadcast_in_dim3A_420 = vector.broadcast %broadcast_in_dim3A_419 : i32 to vector<16xi32>
        %gather3A_421 = tpu.vector_load_idx %arg11[%add3A_56, %broadcast_in_dim3A_420] : memref<128x32xf32, #tpu.memory_space<vmem>>[vector<16xi32>, vector<16xi32>], vector<16xf32>,
        %broadcast_in_dim3A_422 = arith.constant 22 : i32
        %broadcast_in_dim3A_423 = vector.broadcast %broadcast_in_dim3A_422 : i32 to vector<16xi32>
        %gather3A_424 = tpu.vector_load_idx %arg11[%add3A_56, %broadcast_in_dim3A_423] : memref<128x32xf32, #tpu.memory_space<vmem>>[vector<16xi32>, vector<16xi32>], vector<16xf32>,
        %broadcast_in_dim3A_425 = arith.constant 30 : i32
        %broadcast_in_dim3A_426 = vector.broadcast %broadcast_in_dim3A_425 : i32 to vector<16xi32>
        %gather3A_427 = tpu.vector_load_idx %arg11[%add3A_56, %broadcast_in_dim3A_426] : memref<128x32xf32, #tpu.memory_space<vmem>>[vector<16xi32>, vector<16xi32>], vector<16xf32>,
        %mul3A_428 = arith.mulf %gather3A_406, %gather3A : vector<16xf32>
        %mul3A_429 = arith.mulf %mul3A_428, %gather3A_418 : vector<16xf32>
        %broadcast_in_dim3A_430 = arith.constant 6 : i32
        %broadcast_in_dim3A_431 = vector.broadcast %broadcast_in_dim3A_430 : i32 to vector<16xi32>
        tpu.vector_store_idx %arg13[%add3A_56, %broadcast_in_dim3A_431], %mul3A_429 : memref<128x64xf32, #tpu.memory_space<vmem>>[vector<16xi32>, vector<16xi32>], vector<16xf32>,
        %mul3A_432 = arith.mulf %gather3A_409, %gather3A_61 : vector<16xf32>
        %mul3A_433 = arith.mulf %gather3A_412, %gather3A_64 : vector<16xf32>
        %add3A_434 = arith.addf %mul3A_432, %mul3A_433 : vector<16xf32>
        %mul3A_435 = arith.mulf %gather3A_415, %gather3A_67 : vector<16xf32>
        %add3A_436 = arith.addf %add3A_434, %mul3A_435 : vector<16xf32>
        %mul3A_437 = arith.mulf %add3A_436, %gather3A_421 : vector<16xf32>
        %broadcast_in_dim3A_438 = arith.constant 14 : i32
        %broadcast_in_dim3A_439 = vector.broadcast %broadcast_in_dim3A_438 : i32 to vector<16xi32>
        tpu.vector_store_idx %arg13[%add3A_56, %broadcast_in_dim3A_439], %mul3A_437 : memref<128x64xf32, #tpu.memory_space<vmem>>[vector<16xi32>, vector<16xi32>], vector<16xf32>,
        %mul3A_440 = arith.mulf %gather3A_406, %gather3A_424 : vector<16xf32>
        %mul3A_441 = arith.mulf %gather3A, %gather3A_427 : vector<16xf32>
        %mul3A_442 = arith.mulf %mul3A_440, %gather3A_61 : vector<16xf32>
        %broadcast_in_dim3A_443 = arith.constant 22 : i32
        %broadcast_in_dim3A_444 = vector.broadcast %broadcast_in_dim3A_443 : i32 to vector<16xi32>
        tpu.vector_store_idx %arg13[%add3A_56, %broadcast_in_dim3A_444], %mul3A_442 : memref<128x64xf32, #tpu.memory_space<vmem>>[vector<16xi32>, vector<16xi32>], vector<16xf32>,
        %mul3A_445 = arith.mulf %gather3A_409, %mul3A_441 : vector<16xf32>
        %broadcast_in_dim3A_446 = arith.constant 30 : i32
        %broadcast_in_dim3A_447 = vector.broadcast %broadcast_in_dim3A_446 : i32 to vector<16xi32>
        tpu.vector_store_idx %arg13[%add3A_56, %broadcast_in_dim3A_447], %mul3A_445 : memref<128x64xf32, #tpu.memory_space<vmem>>[vector<16xi32>, vector<16xi32>], vector<16xf32>,
        %mul3A_448 = arith.mulf %mul3A_440, %gather3A_64 : vector<16xf32>
        %broadcast_in_dim3A_449 = arith.constant 38 : i32
        %broadcast_in_dim3A_450 = vector.broadcast %broadcast_in_dim3A_449 : i32 to vector<16xi32>
        tpu.vector_store_idx %arg13[%add3A_56, %broadcast_in_dim3A_450], %mul3A_448 : memref<128x64xf32, #tpu.memory_space<vmem>>[vector<16xi32>, vector<16xi32>], vector<16xf32>,
        %mul3A_451 = arith.mulf %gather3A_412, %mul3A_441 : vector<16xf32>
        %broadcast_in_dim3A_452 = arith.constant 46 : i32
        %broadcast_in_dim3A_453 = vector.broadcast %broadcast_in_dim3A_452 : i32 to vector<16xi32>
        tpu.vector_store_idx %arg13[%add3A_56, %broadcast_in_dim3A_453], %mul3A_451 : memref<128x64xf32, #tpu.memory_space<vmem>>[vector<16xi32>, vector<16xi32>], vector<16xf32>,
        %mul3A_454 = arith.mulf %mul3A_440, %gather3A_67 : vector<16xf32>
        %broadcast_in_dim3A_455 = arith.constant 54 : i32
        %broadcast_in_dim3A_456 = vector.broadcast %broadcast_in_dim3A_455 : i32 to vector<16xi32>
        tpu.vector_store_idx %arg13[%add3A_56, %broadcast_in_dim3A_456], %mul3A_454 : memref<128x64xf32, #tpu.memory_space<vmem>>[vector<16xi32>, vector<16xi32>], vector<16xf32>,
        %mul3A_457 = arith.mulf %gather3A_415, %mul3A_441 : vector<16xf32>
        %broadcast_in_dim3A_458 = arith.constant 62 : i32
        %broadcast_in_dim3A_459 = vector.broadcast %broadcast_in_dim3A_458 : i32 to vector<16xi32>
        tpu.vector_store_idx %arg13[%add3A_56, %broadcast_in_dim3A_459], %mul3A_457 : memref<128x64xf32, #tpu.memory_space<vmem>>[vector<16xi32>, vector<16xi32>], vector<16xf32>,
        %broadcast_in_dim3A_460 = arith.constant 7 : i32
        %broadcast_in_dim3A_461 = vector.broadcast %broadcast_in_dim3A_460 : i32 to vector<16xi32>
        %gather3A_462 = tpu.vector_load_idx %arg10[%add3A_56, %broadcast_in_dim3A_461] : memref<128x32xf32, #tpu.memory_space<vmem>>[vector<16xi32>, vector<16xi32>], vector<16xf32>,
        %broadcast_in_dim3A_463 = arith.constant 15 : i32
        %broadcast_in_dim3A_464 = vector.broadcast %broadcast_in_dim3A_463 : i32 to vector<16xi32>
        %gather3A_465 = tpu.vector_load_idx %arg10[%add3A_56, %broadcast_in_dim3A_464] : memref<128x32xf32, #tpu.memory_space<vmem>>[vector<16xi32>, vector<16xi32>], vector<16xf32>,
        %broadcast_in_dim3A_466 = arith.constant 23 : i32
        %broadcast_in_dim3A_467 = vector.broadcast %broadcast_in_dim3A_466 : i32 to vector<16xi32>
        %gather3A_468 = tpu.vector_load_idx %arg10[%add3A_56, %broadcast_in_dim3A_467] : memref<128x32xf32, #tpu.memory_space<vmem>>[vector<16xi32>, vector<16xi32>], vector<16xf32>,
        %broadcast_in_dim3A_469 = arith.constant 31 : i32
        %broadcast_in_dim3A_470 = vector.broadcast %broadcast_in_dim3A_469 : i32 to vector<16xi32>
        %gather3A_471 = tpu.vector_load_idx %arg10[%add3A_56, %broadcast_in_dim3A_470] : memref<128x32xf32, #tpu.memory_space<vmem>>[vector<16xi32>, vector<16xi32>], vector<16xf32>,
        %broadcast_in_dim3A_472 = arith.constant 7 : i32
        %broadcast_in_dim3A_473 = vector.broadcast %broadcast_in_dim3A_472 : i32 to vector<16xi32>
        %gather3A_474 = tpu.vector_load_idx %arg11[%add3A_56, %broadcast_in_dim3A_473] : memref<128x32xf32, #tpu.memory_space<vmem>>[vector<16xi32>, vector<16xi32>], vector<16xf32>,
        %broadcast_in_dim3A_475 = arith.constant 15 : i32
        %broadcast_in_dim3A_476 = vector.broadcast %broadcast_in_dim3A_475 : i32 to vector<16xi32>
        %gather3A_477 = tpu.vector_load_idx %arg11[%add3A_56, %broadcast_in_dim3A_476] : memref<128x32xf32, #tpu.memory_space<vmem>>[vector<16xi32>, vector<16xi32>], vector<16xf32>,
        %broadcast_in_dim3A_478 = arith.constant 23 : i32
        %broadcast_in_dim3A_479 = vector.broadcast %broadcast_in_dim3A_478 : i32 to vector<16xi32>
        %gather3A_480 = tpu.vector_load_idx %arg11[%add3A_56, %broadcast_in_dim3A_479] : memref<128x32xf32, #tpu.memory_space<vmem>>[vector<16xi32>, vector<16xi32>], vector<16xf32>,
        %broadcast_in_dim3A_481 = arith.constant 31 : i32
        %broadcast_in_dim3A_482 = vector.broadcast %broadcast_in_dim3A_481 : i32 to vector<16xi32>
        %gather3A_483 = tpu.vector_load_idx %arg11[%add3A_56, %broadcast_in_dim3A_482] : memref<128x32xf32, #tpu.memory_space<vmem>>[vector<16xi32>, vector<16xi32>], vector<16xf32>,
        %mul3A_484 = arith.mulf %gather3A_462, %gather3A : vector<16xf32>
        %mul3A_485 = arith.mulf %mul3A_484, %gather3A_474 : vector<16xf32>
        %broadcast_in_dim3A_486 = arith.constant 7 : i32
        %broadcast_in_dim3A_487 = vector.broadcast %broadcast_in_dim3A_486 : i32 to vector<16xi32>
        tpu.vector_store_idx %arg13[%add3A_56, %broadcast_in_dim3A_487], %mul3A_485 : memref<128x64xf32, #tpu.memory_space<vmem>>[vector<16xi32>, vector<16xi32>], vector<16xf32>,
        %mul3A_488 = arith.mulf %gather3A_465, %gather3A_61 : vector<16xf32>
        %mul3A_489 = arith.mulf %gather3A_468, %gather3A_64 : vector<16xf32>
        %add3A_490 = arith.addf %mul3A_488, %mul3A_489 : vector<16xf32>
        %mul3A_491 = arith.mulf %gather3A_471, %gather3A_67 : vector<16xf32>
        %add3A_492 = arith.addf %add3A_490, %mul3A_491 : vector<16xf32>
        %mul3A_493 = arith.mulf %add3A_492, %gather3A_477 : vector<16xf32>
        %broadcast_in_dim3A_494 = arith.constant 15 : i32
        %broadcast_in_dim3A_495 = vector.broadcast %broadcast_in_dim3A_494 : i32 to vector<16xi32>
        tpu.vector_store_idx %arg13[%add3A_56, %broadcast_in_dim3A_495], %mul3A_493 : memref<128x64xf32, #tpu.memory_space<vmem>>[vector<16xi32>, vector<16xi32>], vector<16xf32>,
        %mul3A_496 = arith.mulf %gather3A_462, %gather3A_480 : vector<16xf32>
        %mul3A_497 = arith.mulf %gather3A, %gather3A_483 : vector<16xf32>
        %mul3A_498 = arith.mulf %mul3A_496, %gather3A_61 : vector<16xf32>
        %broadcast_in_dim3A_499 = arith.constant 23 : i32
        %broadcast_in_dim3A_500 = vector.broadcast %broadcast_in_dim3A_499 : i32 to vector<16xi32>
        tpu.vector_store_idx %arg13[%add3A_56, %broadcast_in_dim3A_500], %mul3A_498 : memref<128x64xf32, #tpu.memory_space<vmem>>[vector<16xi32>, vector<16xi32>], vector<16xf32>,
        %mul3A_501 = arith.mulf %gather3A_465, %mul3A_497 : vector<16xf32>
        %broadcast_in_dim3A_502 = arith.constant 31 : i32
        %broadcast_in_dim3A_503 = vector.broadcast %broadcast_in_dim3A_502 : i32 to vector<16xi32>
        tpu.vector_store_idx %arg13[%add3A_56, %broadcast_in_dim3A_503], %mul3A_501 : memref<128x64xf32, #tpu.memory_space<vmem>>[vector<16xi32>, vector<16xi32>], vector<16xf32>,
        %mul3A_504 = arith.mulf %mul3A_496, %gather3A_64 : vector<16xf32>
        %broadcast_in_dim3A_505 = arith.constant 39 : i32
        %broadcast_in_dim3A_506 = vector.broadcast %broadcast_in_dim3A_505 : i32 to vector<16xi32>
        tpu.vector_store_idx %arg13[%add3A_56, %broadcast_in_dim3A_506], %mul3A_504 : memref<128x64xf32, #tpu.memory_space<vmem>>[vector<16xi32>, vector<16xi32>], vector<16xf32>,
        %mul3A_507 = arith.mulf %gather3A_468, %mul3A_497 : vector<16xf32>
        %broadcast_in_dim3A_508 = arith.constant 47 : i32
        %broadcast_in_dim3A_509 = vector.broadcast %broadcast_in_dim3A_508 : i32 to vector<16xi32>
        tpu.vector_store_idx %arg13[%add3A_56, %broadcast_in_dim3A_509], %mul3A_507 : memref<128x64xf32, #tpu.memory_space<vmem>>[vector<16xi32>, vector<16xi32>], vector<16xf32>,
        %mul3A_510 = arith.mulf %mul3A_496, %gather3A_67 : vector<16xf32>
        %broadcast_in_dim3A_511 = arith.constant 55 : i32
        %broadcast_in_dim3A_512 = vector.broadcast %broadcast_in_dim3A_511 : i32 to vector<16xi32>
        tpu.vector_store_idx %arg13[%add3A_56, %broadcast_in_dim3A_512], %mul3A_510 : memref<128x64xf32, #tpu.memory_space<vmem>>[vector<16xi32>, vector<16xi32>], vector<16xf32>,
        %mul3A_513 = arith.mulf %gather3A_471, %mul3A_497 : vector<16xf32>
        %broadcast_in_dim3A_514 = arith.constant 63 : i32
        %broadcast_in_dim3A_515 = vector.broadcast %broadcast_in_dim3A_514 : i32 to vector<16xi32>
        tpu.vector_store_idx %arg13[%add3A_56, %broadcast_in_dim3A_515], %mul3A_513 : memref<128x64xf32, #tpu.memory_space<vmem>>[vector<16xi32>, vector<16xi32>], vector<16xf32>,
      }
      %scan3A_51 = arith.constant 8 : i32
      "tpu.region"() ({
        %run_scoped3A = tpu.sem_alloc : memref<!tpu.dma_semaphore, #tpu.memory_space<semaphore_mem>>
        %dma_start3A_52 = arith.constant 0 : i32
        %dma_start3A_53 = arith.constant 0 : i32
        %dma_start3A_54 = tpu.memref_slice %arg15[%dma_start3A_52, %dma_start3A_53] : memref<10000x64xf32, #tpu.memory_space<vmem_shared>> -> memref<10000x64xf32, #tpu.memory_space<vmem_shared>>
        tpu.enqueue_indirect_dma source(%arg13 : memref<128x64xf32, #tpu.memory_space<vmem>>) target(%dma_start3A_54 : memref<10000x64xf32, #tpu.memory_space<vmem_shared>>) offsets(%arg9 : memref<128xi32, #tpu.memory_space<vmem>>) semaphore(%run_scoped3A : memref<!tpu.dma_semaphore, #tpu.memory_space<semaphore_mem>>) {add = true}
        %dma_wait3A_55 = arith.constant 0 : i32
        %dma_wait3A_56 = arith.constant 0 : i32
        %dma_wait3A_57 = tpu.memref_slice %arg15[%dma_wait3A_55, %dma_wait3A_56] : memref<10000x64xf32, #tpu.memory_space<vmem_shared>> -> memref<10000x64xf32, #tpu.memory_space<vmem_shared>>
        tpu.wait_indirect_dma semaphore(%run_scoped3A : memref<!tpu.dma_semaphore, #tpu.memory_space<semaphore_mem>>) src(%arg13 : memref<128x64xf32, #tpu.memory_space<vmem>>) dst(%dma_wait3A_57 : memref<10000x64xf32, #tpu.memory_space<vmem_shared>>)
        tpu.yield
      }) : () -> ()
    }
    %while3A_27 = arith.constant 1 : i32
    scf.for %while3A_38 = %while3A_25 to %while3A_21 step %while3A_27  : i32 {
      %add3A_39 = arith.addi %add3A_14, %while3A_38 : i32
      %mul3A_40 = arith.constant 128 : i32
      %mul3A_41 = arith.muli %add3A_39, %mul3A_40 : i32
      "tpu.region"() ({
        %run_scoped3A = tpu.sem_alloc : memref<!tpu.dma_semaphore, #tpu.memory_space<semaphore_mem>>
        %dma_start3A_52 = tpu.memref_slice %arg3[%mul3A_41] : memref<320000xi32, #tpu.memory_space<hbm>> -> memref<128xi32, #tpu.memory_space<hbm>>
        %dma_start3A_53 = tpu.memref_slice %arg3[%mul3A_41] : memref<320000xi32, #tpu.memory_space<hbm>> -> memref<128xi32, #tpu.memory_space<hbm>>
        tpu.enqueue_dma source(%dma_start3A_53 : memref<128xi32, #tpu.memory_space<hbm>>) target(%arg8 : memref<128xi32, #tpu.memory_space<vmem>>) target_semaphore(%run_scoped3A : memref<!tpu.dma_semaphore, #tpu.memory_space<semaphore_mem>>)
        %dma_wait3A_54 = tpu.memref_slice %arg3[%mul3A_41] : memref<320000xi32, #tpu.memory_space<hbm>> -> memref<128xi32, #tpu.memory_space<hbm>>
        %dma_wait3A_55 = tpu.memref_slice %arg3[%mul3A_41] : memref<320000xi32, #tpu.memory_space<hbm>> -> memref<128xi32, #tpu.memory_space<hbm>>
        tpu.wait_dma2 semaphore(%run_scoped3A : memref<!tpu.dma_semaphore, #tpu.memory_space<semaphore_mem>>) src(%dma_wait3A_55 : memref<128xi32, #tpu.memory_space<hbm>>) dst(%arg8 : memref<128xi32, #tpu.memory_space<vmem>>)
        tpu.yield
      }) : () -> ()
      %dma_start3A = arith.constant 0 : i32
      %dma_start3A_42 = arith.constant 0 : i32
      %dma_start3A_43 = tpu.memref_slice %arg2[%dma_start3A, %dma_start3A_42] : memref<10000x32xf32, #tpu.memory_space<hbm>> -> memref<10000x32xf32, #tpu.memory_space<hbm>>
      tpu.enqueue_indirect_dma source(%dma_start3A_43 : memref<10000x32xf32, #tpu.memory_space<hbm>>) target(%arg10 : memref<128x32xf32, #tpu.memory_space<vmem>>) offsets(%arg8 : memref<128xi32, #tpu.memory_space<vmem>>) semaphore(%arg16 : memref<!tpu.dma_semaphore, #tpu.memory_space<semaphore_mem>>)
      "tpu.region"() ({
        %run_scoped3A = tpu.sem_alloc : memref<!tpu.dma_semaphore, #tpu.memory_space<semaphore_mem>>
        %dma_start3A_52 = tpu.memref_slice %arg4[%mul3A_41] : memref<320000xi32, #tpu.memory_space<hbm>> -> memref<128xi32, #tpu.memory_space<hbm>>
        %dma_start3A_53 = tpu.memref_slice %arg4[%mul3A_41] : memref<320000xi32, #tpu.memory_space<hbm>> -> memref<128xi32, #tpu.memory_space<hbm>>
        tpu.enqueue_dma source(%dma_start3A_53 : memref<128xi32, #tpu.memory_space<hbm>>) target(%arg9 : memref<128xi32, #tpu.memory_space<vmem>>) target_semaphore(%run_scoped3A : memref<!tpu.dma_semaphore, #tpu.memory_space<semaphore_mem>>)
        %dma_wait3A_54 = tpu.memref_slice %arg4[%mul3A_41] : memref<320000xi32, #tpu.memory_space<hbm>> -> memref<128xi32, #tpu.memory_space<hbm>>
        %dma_wait3A_55 = tpu.memref_slice %arg4[%mul3A_41] : memref<320000xi32, #tpu.memory_space<hbm>> -> memref<128xi32, #tpu.memory_space<hbm>>
        tpu.wait_dma2 semaphore(%run_scoped3A : memref<!tpu.dma_semaphore, #tpu.memory_space<semaphore_mem>>) src(%dma_wait3A_55 : memref<128xi32, #tpu.memory_space<hbm>>) dst(%arg9 : memref<128xi32, #tpu.memory_space<vmem>>)
        tpu.yield
      }) : () -> ()
      "tpu.region"() ({
        %run_scoped3A = tpu.sem_alloc : memref<!tpu.dma_semaphore, #tpu.memory_space<semaphore_mem>>
        %dma_start3A_52 = arith.constant 0 : i32
        %dma_start3A_53 = tpu.memref_slice %arg6[%mul3A_41, %dma_start3A_52] : memref<320000x32xf32, #tpu.memory_space<hbm>> -> memref<128x32xf32, #tpu.memory_space<hbm>>
        %dma_start3A_54 = arith.constant 0 : i32
        %dma_start3A_55 = tpu.memref_slice %arg6[%mul3A_41, %dma_start3A_54] : memref<320000x32xf32, #tpu.memory_space<hbm>> -> memref<128x32xf32, #tpu.memory_space<hbm>>
        tpu.enqueue_dma source(%dma_start3A_55 : memref<128x32xf32, #tpu.memory_space<hbm>>) target(%arg11 : memref<128x32xf32, #tpu.memory_space<vmem>>) target_semaphore(%run_scoped3A : memref<!tpu.dma_semaphore, #tpu.memory_space<semaphore_mem>>)
        %dma_wait3A_56 = arith.constant 0 : i32
        %dma_wait3A_57 = tpu.memref_slice %arg6[%mul3A_41, %dma_wait3A_56] : memref<320000x32xf32, #tpu.memory_space<hbm>> -> memref<128x32xf32, #tpu.memory_space<hbm>>
        %dma_wait3A_58 = arith.constant 0 : i32
        %dma_wait3A_59 = tpu.memref_slice %arg6[%mul3A_41, %dma_wait3A_58] : memref<320000x32xf32, #tpu.memory_space<hbm>> -> memref<128x32xf32, #tpu.memory_space<hbm>>
        tpu.wait_dma2 semaphore(%run_scoped3A : memref<!tpu.dma_semaphore, #tpu.memory_space<semaphore_mem>>) src(%dma_wait3A_59 : memref<128x32xf32, #tpu.memory_space<hbm>>) dst(%arg11 : memref<128x32xf32, #tpu.memory_space<vmem>>)
        tpu.yield
      }) : () -> ()
      "tpu.region"() ({
        %run_scoped3A = tpu.sem_alloc : memref<!tpu.dma_semaphore, #tpu.memory_space<semaphore_mem>>
        %dma_start3A_52 = arith.constant 0 : i32
        %dma_start3A_53 = tpu.memref_slice %arg5[%mul3A_41, %dma_start3A_52] : memref<320000x4xf32, #tpu.memory_space<hbm>> -> memref<128x4xf32, #tpu.memory_space<hbm>>
        %dma_start3A_54 = arith.constant 0 : i32
        %dma_start3A_55 = tpu.memref_slice %arg5[%mul3A_41, %dma_start3A_54] : memref<320000x4xf32, #tpu.memory_space<hbm>> -> memref<128x4xf32, #tpu.memory_space<hbm>>
        tpu.enqueue_dma source(%dma_start3A_55 : memref<128x4xf32, #tpu.memory_space<hbm>>) target(%arg12 : memref<128x4xf32, #tpu.memory_space<vmem>>) target_semaphore(%run_scoped3A : memref<!tpu.dma_semaphore, #tpu.memory_space<semaphore_mem>>)
        %dma_wait3A_56 = arith.constant 0 : i32
        %dma_wait3A_57 = tpu.memref_slice %arg5[%mul3A_41, %dma_wait3A_56] : memref<320000x4xf32, #tpu.memory_space<hbm>> -> memref<128x4xf32, #tpu.memory_space<hbm>>
        %dma_wait3A_58 = arith.constant 0 : i32
        %dma_wait3A_59 = tpu.memref_slice %arg5[%mul3A_41, %dma_wait3A_58] : memref<320000x4xf32, #tpu.memory_space<hbm>> -> memref<128x4xf32, #tpu.memory_space<hbm>>
        tpu.wait_dma2 semaphore(%run_scoped3A : memref<!tpu.dma_semaphore, #tpu.memory_space<semaphore_mem>>) src(%dma_wait3A_59 : memref<128x4xf32, #tpu.memory_space<hbm>>) dst(%arg12 : memref<128x4xf32, #tpu.memory_space<vmem>>)
        tpu.yield
      }) : () -> ()
      %dma_wait3A = arith.constant 0 : i32
      %dma_wait3A_44 = arith.constant 0 : i32
      %dma_wait3A_45 = tpu.memref_slice %arg2[%dma_wait3A, %dma_wait3A_44] : memref<10000x32xf32, #tpu.memory_space<hbm>> -> memref<10000x32xf32, #tpu.memory_space<hbm>>
      tpu.wait_indirect_dma semaphore(%arg16 : memref<!tpu.dma_semaphore, #tpu.memory_space<semaphore_mem>>) src(%dma_wait3A_45 : memref<10000x32xf32, #tpu.memory_space<hbm>>) dst(%arg10 : memref<128x32xf32, #tpu.memory_space<vmem>>)
      %scan3A_46 = arith.constant 0 : i32
      %scan3A_47 = arith.constant 0 : i32
      %scan3A_48 = arith.constant 8 : i32
      %scan3A_49 = arith.addi %scan3A_47, %scan3A_48 : i32
      %scan3A_50 = arith.constant 1 : i32
      scf.for %scan3A_52 = %scan3A_47 to %scan3A_49 step %scan3A_50  : i32 {
        %iota3A = tpu.iota {dimensions = array<i32: 0>} : vector<16xi32>
        %mul3A_53 = arith.constant 16 : i32
        %mul3A_54 = arith.muli %scan3A_52, %mul3A_53 : i32
        %add3A_55 = vector.broadcast %mul3A_54 : i32 to vector<16xi32>
        %add3A_56 = arith.addi %iota3A, %add3A_55 : vector<16xi32>
        %broadcast_in_dim3A_57 = arith.constant 0 : i32
        %broadcast_in_dim3A_58 = vector.broadcast %broadcast_in_dim3A_57 : i32 to vector<16xi32>
        %gather3A = tpu.vector_load_idx %arg12[%add3A_56, %broadcast_in_dim3A_58] : memref<128x4xf32, #tpu.memory_space<vmem>>[vector<16xi32>, vector<16xi32>], vector<16xf32>,
        %broadcast_in_dim3A_59 = arith.constant 1 : i32
        %broadcast_in_dim3A_60 = vector.broadcast %broadcast_in_dim3A_59 : i32 to vector<16xi32>
        %gather3A_61 = tpu.vector_load_idx %arg12[%add3A_56, %broadcast_in_dim3A_60] : memref<128x4xf32, #tpu.memory_space<vmem>>[vector<16xi32>, vector<16xi32>], vector<16xf32>,
        %broadcast_in_dim3A_62 = arith.constant 2 : i32
        %broadcast_in_dim3A_63 = vector.broadcast %broadcast_in_dim3A_62 : i32 to vector<16xi32>
        %gather3A_64 = tpu.vector_load_idx %arg12[%add3A_56, %broadcast_in_dim3A_63] : memref<128x4xf32, #tpu.memory_space<vmem>>[vector<16xi32>, vector<16xi32>], vector<16xf32>,
        %broadcast_in_dim3A_65 = arith.constant 3 : i32
        %broadcast_in_dim3A_66 = vector.broadcast %broadcast_in_dim3A_65 : i32 to vector<16xi32>
        %gather3A_67 = tpu.vector_load_idx %arg12[%add3A_56, %broadcast_in_dim3A_66] : memref<128x4xf32, #tpu.memory_space<vmem>>[vector<16xi32>, vector<16xi32>], vector<16xf32>,
        %broadcast_in_dim3A_68 = arith.constant 0 : i32
        %broadcast_in_dim3A_69 = vector.broadcast %broadcast_in_dim3A_68 : i32 to vector<16xi32>
        %gather3A_70 = tpu.vector_load_idx %arg10[%add3A_56, %broadcast_in_dim3A_69] : memref<128x32xf32, #tpu.memory_space<vmem>>[vector<16xi32>, vector<16xi32>], vector<16xf32>,
        %broadcast_in_dim3A_71 = arith.constant 8 : i32
        %broadcast_in_dim3A_72 = vector.broadcast %broadcast_in_dim3A_71 : i32 to vector<16xi32>
        %gather3A_73 = tpu.vector_load_idx %arg10[%add3A_56, %broadcast_in_dim3A_72] : memref<128x32xf32, #tpu.memory_space<vmem>>[vector<16xi32>, vector<16xi32>], vector<16xf32>,
        %broadcast_in_dim3A_74 = arith.constant 16 : i32
        %broadcast_in_dim3A_75 = vector.broadcast %broadcast_in_dim3A_74 : i32 to vector<16xi32>
        %gather3A_76 = tpu.vector_load_idx %arg10[%add3A_56, %broadcast_in_dim3A_75] : memref<128x32xf32, #tpu.memory_space<vmem>>[vector<16xi32>, vector<16xi32>], vector<16xf32>,
        %broadcast_in_dim3A_77 = arith.constant 24 : i32
        %broadcast_in_dim3A_78 = vector.broadcast %broadcast_in_dim3A_77 : i32 to vector<16xi32>
        %gather3A_79 = tpu.vector_load_idx %arg10[%add3A_56, %broadcast_in_dim3A_78] : memref<128x32xf32, #tpu.memory_space<vmem>>[vector<16xi32>, vector<16xi32>], vector<16xf32>,
        %broadcast_in_dim3A_80 = arith.constant 0 : i32
        %broadcast_in_dim3A_81 = vector.broadcast %broadcast_in_dim3A_80 : i32 to vector<16xi32>
        %gather3A_82 = tpu.vector_load_idx %arg11[%add3A_56, %broadcast_in_dim3A_81] : memref<128x32xf32, #tpu.memory_space<vmem>>[vector<16xi32>, vector<16xi32>], vector<16xf32>,
        %broadcast_in_dim3A_83 = arith.constant 8 : i32
        %broadcast_in_dim3A_84 = vector.broadcast %broadcast_in_dim3A_83 : i32 to vector<16xi32>
        %gather3A_85 = tpu.vector_load_idx %arg11[%add3A_56, %broadcast_in_dim3A_84] : memref<128x32xf32, #tpu.memory_space<vmem>>[vector<16xi32>, vector<16xi32>], vector<16xf32>,
        %broadcast_in_dim3A_86 = arith.constant 16 : i32
        %broadcast_in_dim3A_87 = vector.broadcast %broadcast_in_dim3A_86 : i32 to vector<16xi32>
        %gather3A_88 = tpu.vector_load_idx %arg11[%add3A_56, %broadcast_in_dim3A_87] : memref<128x32xf32, #tpu.memory_space<vmem>>[vector<16xi32>, vector<16xi32>], vector<16xf32>,
        %broadcast_in_dim3A_89 = arith.constant 24 : i32
        %broadcast_in_dim3A_90 = vector.broadcast %broadcast_in_dim3A_89 : i32 to vector<16xi32>
        %gather3A_91 = tpu.vector_load_idx %arg11[%add3A_56, %broadcast_in_dim3A_90] : memref<128x32xf32, #tpu.memory_space<vmem>>[vector<16xi32>, vector<16xi32>], vector<16xf32>,
        %mul3A_92 = arith.mulf %gather3A_70, %gather3A : vector<16xf32>
        %mul3A_93 = arith.mulf %mul3A_92, %gather3A_82 : vector<16xf32>
        %broadcast_in_dim3A_94 = arith.constant 0 : i32
        %broadcast_in_dim3A_95 = vector.broadcast %broadcast_in_dim3A_94 : i32 to vector<16xi32>
        tpu.vector_store_idx %arg13[%add3A_56, %broadcast_in_dim3A_95], %mul3A_93 : memref<128x64xf32, #tpu.memory_space<vmem>>[vector<16xi32>, vector<16xi32>], vector<16xf32>,
        %mul3A_96 = arith.mulf %gather3A_73, %gather3A_61 : vector<16xf32>
        %mul3A_97 = arith.mulf %gather3A_76, %gather3A_64 : vector<16xf32>
        %add3A_98 = arith.addf %mul3A_96, %mul3A_97 : vector<16xf32>
        %mul3A_99 = arith.mulf %gather3A_79, %gather3A_67 : vector<16xf32>
        %add3A_100 = arith.addf %add3A_98, %mul3A_99 : vector<16xf32>
        %mul3A_101 = arith.mulf %add3A_100, %gather3A_85 : vector<16xf32>
        %broadcast_in_dim3A_102 = arith.constant 8 : i32
        %broadcast_in_dim3A_103 = vector.broadcast %broadcast_in_dim3A_102 : i32 to vector<16xi32>
        tpu.vector_store_idx %arg13[%add3A_56, %broadcast_in_dim3A_103], %mul3A_101 : memref<128x64xf32, #tpu.memory_space<vmem>>[vector<16xi32>, vector<16xi32>], vector<16xf32>,
        %mul3A_104 = arith.mulf %gather3A_70, %gather3A_88 : vector<16xf32>
        %mul3A_105 = arith.mulf %gather3A, %gather3A_91 : vector<16xf32>
        %mul3A_106 = arith.mulf %mul3A_104, %gather3A_61 : vector<16xf32>
        %broadcast_in_dim3A_107 = arith.constant 16 : i32
        %broadcast_in_dim3A_108 = vector.broadcast %broadcast_in_dim3A_107 : i32 to vector<16xi32>
        tpu.vector_store_idx %arg13[%add3A_56, %broadcast_in_dim3A_108], %mul3A_106 : memref<128x64xf32, #tpu.memory_space<vmem>>[vector<16xi32>, vector<16xi32>], vector<16xf32>,
        %mul3A_109 = arith.mulf %gather3A_73, %mul3A_105 : vector<16xf32>
        %broadcast_in_dim3A_110 = arith.constant 24 : i32
        %broadcast_in_dim3A_111 = vector.broadcast %broadcast_in_dim3A_110 : i32 to vector<16xi32>
        tpu.vector_store_idx %arg13[%add3A_56, %broadcast_in_dim3A_111], %mul3A_109 : memref<128x64xf32, #tpu.memory_space<vmem>>[vector<16xi32>, vector<16xi32>], vector<16xf32>,
        %mul3A_112 = arith.mulf %mul3A_104, %gather3A_64 : vector<16xf32>
        %broadcast_in_dim3A_113 = arith.constant 32 : i32
        %broadcast_in_dim3A_114 = vector.broadcast %broadcast_in_dim3A_113 : i32 to vector<16xi32>
        tpu.vector_store_idx %arg13[%add3A_56, %broadcast_in_dim3A_114], %mul3A_112 : memref<128x64xf32, #tpu.memory_space<vmem>>[vector<16xi32>, vector<16xi32>], vector<16xf32>,
        %mul3A_115 = arith.mulf %gather3A_76, %mul3A_105 : vector<16xf32>
        %broadcast_in_dim3A_116 = arith.constant 40 : i32
        %broadcast_in_dim3A_117 = vector.broadcast %broadcast_in_dim3A_116 : i32 to vector<16xi32>
        tpu.vector_store_idx %arg13[%add3A_56, %broadcast_in_dim3A_117], %mul3A_115 : memref<128x64xf32, #tpu.memory_space<vmem>>[vector<16xi32>, vector<16xi32>], vector<16xf32>,
        %mul3A_118 = arith.mulf %mul3A_104, %gather3A_67 : vector<16xf32>
        %broadcast_in_dim3A_119 = arith.constant 48 : i32
        %broadcast_in_dim3A_120 = vector.broadcast %broadcast_in_dim3A_119 : i32 to vector<16xi32>
        tpu.vector_store_idx %arg13[%add3A_56, %broadcast_in_dim3A_120], %mul3A_118 : memref<128x64xf32, #tpu.memory_space<vmem>>[vector<16xi32>, vector<16xi32>], vector<16xf32>,
        %mul3A_121 = arith.mulf %gather3A_79, %mul3A_105 : vector<16xf32>
        %broadcast_in_dim3A_122 = arith.constant 56 : i32
        %broadcast_in_dim3A_123 = vector.broadcast %broadcast_in_dim3A_122 : i32 to vector<16xi32>
        tpu.vector_store_idx %arg13[%add3A_56, %broadcast_in_dim3A_123], %mul3A_121 : memref<128x64xf32, #tpu.memory_space<vmem>>[vector<16xi32>, vector<16xi32>], vector<16xf32>,
        %broadcast_in_dim3A_124 = arith.constant 1 : i32
        %broadcast_in_dim3A_125 = vector.broadcast %broadcast_in_dim3A_124 : i32 to vector<16xi32>
        %gather3A_126 = tpu.vector_load_idx %arg10[%add3A_56, %broadcast_in_dim3A_125] : memref<128x32xf32, #tpu.memory_space<vmem>>[vector<16xi32>, vector<16xi32>], vector<16xf32>,
        %broadcast_in_dim3A_127 = arith.constant 9 : i32
        %broadcast_in_dim3A_128 = vector.broadcast %broadcast_in_dim3A_127 : i32 to vector<16xi32>
        %gather3A_129 = tpu.vector_load_idx %arg10[%add3A_56, %broadcast_in_dim3A_128] : memref<128x32xf32, #tpu.memory_space<vmem>>[vector<16xi32>, vector<16xi32>], vector<16xf32>,
        %broadcast_in_dim3A_130 = arith.constant 17 : i32
        %broadcast_in_dim3A_131 = vector.broadcast %broadcast_in_dim3A_130 : i32 to vector<16xi32>
        %gather3A_132 = tpu.vector_load_idx %arg10[%add3A_56, %broadcast_in_dim3A_131] : memref<128x32xf32, #tpu.memory_space<vmem>>[vector<16xi32>, vector<16xi32>], vector<16xf32>,
        %broadcast_in_dim3A_133 = arith.constant 25 : i32
        %broadcast_in_dim3A_134 = vector.broadcast %broadcast_in_dim3A_133 : i32 to vector<16xi32>
        %gather3A_135 = tpu.vector_load_idx %arg10[%add3A_56, %broadcast_in_dim3A_134] : memref<128x32xf32, #tpu.memory_space<vmem>>[vector<16xi32>, vector<16xi32>], vector<16xf32>,
        %broadcast_in_dim3A_136 = arith.constant 1 : i32
        %broadcast_in_dim3A_137 = vector.broadcast %broadcast_in_dim3A_136 : i32 to vector<16xi32>
        %gather3A_138 = tpu.vector_load_idx %arg11[%add3A_56, %broadcast_in_dim3A_137] : memref<128x32xf32, #tpu.memory_space<vmem>>[vector<16xi32>, vector<16xi32>], vector<16xf32>,
        %broadcast_in_dim3A_139 = arith.constant 9 : i32
        %broadcast_in_dim3A_140 = vector.broadcast %broadcast_in_dim3A_139 : i32 to vector<16xi32>
        %gather3A_141 = tpu.vector_load_idx %arg11[%add3A_56, %broadcast_in_dim3A_140] : memref<128x32xf32, #tpu.memory_space<vmem>>[vector<16xi32>, vector<16xi32>], vector<16xf32>,
        %broadcast_in_dim3A_142 = arith.constant 17 : i32
        %broadcast_in_dim3A_143 = vector.broadcast %broadcast_in_dim3A_142 : i32 to vector<16xi32>
        %gather3A_144 = tpu.vector_load_idx %arg11[%add3A_56, %broadcast_in_dim3A_143] : memref<128x32xf32, #tpu.memory_space<vmem>>[vector<16xi32>, vector<16xi32>], vector<16xf32>,
        %broadcast_in_dim3A_145 = arith.constant 25 : i32
        %broadcast_in_dim3A_146 = vector.broadcast %broadcast_in_dim3A_145 : i32 to vector<16xi32>
        %gather3A_147 = tpu.vector_load_idx %arg11[%add3A_56, %broadcast_in_dim3A_146] : memref<128x32xf32, #tpu.memory_space<vmem>>[vector<16xi32>, vector<16xi32>], vector<16xf32>,
        %mul3A_148 = arith.mulf %gather3A_126, %gather3A : vector<16xf32>
        %mul3A_149 = arith.mulf %mul3A_148, %gather3A_138 : vector<16xf32>
        %broadcast_in_dim3A_150 = arith.constant 1 : i32
        %broadcast_in_dim3A_151 = vector.broadcast %broadcast_in_dim3A_150 : i32 to vector<16xi32>
        tpu.vector_store_idx %arg13[%add3A_56, %broadcast_in_dim3A_151], %mul3A_149 : memref<128x64xf32, #tpu.memory_space<vmem>>[vector<16xi32>, vector<16xi32>], vector<16xf32>,
        %mul3A_152 = arith.mulf %gather3A_129, %gather3A_61 : vector<16xf32>
        %mul3A_153 = arith.mulf %gather3A_132, %gather3A_64 : vector<16xf32>
        %add3A_154 = arith.addf %mul3A_152, %mul3A_153 : vector<16xf32>
        %mul3A_155 = arith.mulf %gather3A_135, %gather3A_67 : vector<16xf32>
        %add3A_156 = arith.addf %add3A_154, %mul3A_155 : vector<16xf32>
        %mul3A_157 = arith.mulf %add3A_156, %gather3A_141 : vector<16xf32>
        %broadcast_in_dim3A_158 = arith.constant 9 : i32
        %broadcast_in_dim3A_159 = vector.broadcast %broadcast_in_dim3A_158 : i32 to vector<16xi32>
        tpu.vector_store_idx %arg13[%add3A_56, %broadcast_in_dim3A_159], %mul3A_157 : memref<128x64xf32, #tpu.memory_space<vmem>>[vector<16xi32>, vector<16xi32>], vector<16xf32>,
        %mul3A_160 = arith.mulf %gather3A_126, %gather3A_144 : vector<16xf32>
        %mul3A_161 = arith.mulf %gather3A, %gather3A_147 : vector<16xf32>
        %mul3A_162 = arith.mulf %mul3A_160, %gather3A_61 : vector<16xf32>
        %broadcast_in_dim3A_163 = arith.constant 17 : i32
        %broadcast_in_dim3A_164 = vector.broadcast %broadcast_in_dim3A_163 : i32 to vector<16xi32>
        tpu.vector_store_idx %arg13[%add3A_56, %broadcast_in_dim3A_164], %mul3A_162 : memref<128x64xf32, #tpu.memory_space<vmem>>[vector<16xi32>, vector<16xi32>], vector<16xf32>,
        %mul3A_165 = arith.mulf %gather3A_129, %mul3A_161 : vector<16xf32>
        %broadcast_in_dim3A_166 = arith.constant 25 : i32
        %broadcast_in_dim3A_167 = vector.broadcast %broadcast_in_dim3A_166 : i32 to vector<16xi32>
        tpu.vector_store_idx %arg13[%add3A_56, %broadcast_in_dim3A_167], %mul3A_165 : memref<128x64xf32, #tpu.memory_space<vmem>>[vector<16xi32>, vector<16xi32>], vector<16xf32>,
        %mul3A_168 = arith.mulf %mul3A_160, %gather3A_64 : vector<16xf32>
        %broadcast_in_dim3A_169 = arith.constant 33 : i32
        %broadcast_in_dim3A_170 = vector.broadcast %broadcast_in_dim3A_169 : i32 to vector<16xi32>
        tpu.vector_store_idx %arg13[%add3A_56, %broadcast_in_dim3A_170], %mul3A_168 : memref<128x64xf32, #tpu.memory_space<vmem>>[vector<16xi32>, vector<16xi32>], vector<16xf32>,
        %mul3A_171 = arith.mulf %gather3A_132, %mul3A_161 : vector<16xf32>
        %broadcast_in_dim3A_172 = arith.constant 41 : i32
        %broadcast_in_dim3A_173 = vector.broadcast %broadcast_in_dim3A_172 : i32 to vector<16xi32>
        tpu.vector_store_idx %arg13[%add3A_56, %broadcast_in_dim3A_173], %mul3A_171 : memref<128x64xf32, #tpu.memory_space<vmem>>[vector<16xi32>, vector<16xi32>], vector<16xf32>,
        %mul3A_174 = arith.mulf %mul3A_160, %gather3A_67 : vector<16xf32>
        %broadcast_in_dim3A_175 = arith.constant 49 : i32
        %broadcast_in_dim3A_176 = vector.broadcast %broadcast_in_dim3A_175 : i32 to vector<16xi32>
        tpu.vector_store_idx %arg13[%add3A_56, %broadcast_in_dim3A_176], %mul3A_174 : memref<128x64xf32, #tpu.memory_space<vmem>>[vector<16xi32>, vector<16xi32>], vector<16xf32>,
        %mul3A_177 = arith.mulf %gather3A_135, %mul3A_161 : vector<16xf32>
        %broadcast_in_dim3A_178 = arith.constant 57 : i32
        %broadcast_in_dim3A_179 = vector.broadcast %broadcast_in_dim3A_178 : i32 to vector<16xi32>
        tpu.vector_store_idx %arg13[%add3A_56, %broadcast_in_dim3A_179], %mul3A_177 : memref<128x64xf32, #tpu.memory_space<vmem>>[vector<16xi32>, vector<16xi32>], vector<16xf32>,
        %broadcast_in_dim3A_180 = arith.constant 2 : i32
        %broadcast_in_dim3A_181 = vector.broadcast %broadcast_in_dim3A_180 : i32 to vector<16xi32>
        %gather3A_182 = tpu.vector_load_idx %arg10[%add3A_56, %broadcast_in_dim3A_181] : memref<128x32xf32, #tpu.memory_space<vmem>>[vector<16xi32>, vector<16xi32>], vector<16xf32>,
        %broadcast_in_dim3A_183 = arith.constant 10 : i32
        %broadcast_in_dim3A_184 = vector.broadcast %broadcast_in_dim3A_183 : i32 to vector<16xi32>
        %gather3A_185 = tpu.vector_load_idx %arg10[%add3A_56, %broadcast_in_dim3A_184] : memref<128x32xf32, #tpu.memory_space<vmem>>[vector<16xi32>, vector<16xi32>], vector<16xf32>,
        %broadcast_in_dim3A_186 = arith.constant 18 : i32
        %broadcast_in_dim3A_187 = vector.broadcast %broadcast_in_dim3A_186 : i32 to vector<16xi32>
        %gather3A_188 = tpu.vector_load_idx %arg10[%add3A_56, %broadcast_in_dim3A_187] : memref<128x32xf32, #tpu.memory_space<vmem>>[vector<16xi32>, vector<16xi32>], vector<16xf32>,
        %broadcast_in_dim3A_189 = arith.constant 26 : i32
        %broadcast_in_dim3A_190 = vector.broadcast %broadcast_in_dim3A_189 : i32 to vector<16xi32>
        %gather3A_191 = tpu.vector_load_idx %arg10[%add3A_56, %broadcast_in_dim3A_190] : memref<128x32xf32, #tpu.memory_space<vmem>>[vector<16xi32>, vector<16xi32>], vector<16xf32>,
        %broadcast_in_dim3A_192 = arith.constant 2 : i32
        %broadcast_in_dim3A_193 = vector.broadcast %broadcast_in_dim3A_192 : i32 to vector<16xi32>
        %gather3A_194 = tpu.vector_load_idx %arg11[%add3A_56, %broadcast_in_dim3A_193] : memref<128x32xf32, #tpu.memory_space<vmem>>[vector<16xi32>, vector<16xi32>], vector<16xf32>,
        %broadcast_in_dim3A_195 = arith.constant 10 : i32
        %broadcast_in_dim3A_196 = vector.broadcast %broadcast_in_dim3A_195 : i32 to vector<16xi32>
        %gather3A_197 = tpu.vector_load_idx %arg11[%add3A_56, %broadcast_in_dim3A_196] : memref<128x32xf32, #tpu.memory_space<vmem>>[vector<16xi32>, vector<16xi32>], vector<16xf32>,
        %broadcast_in_dim3A_198 = arith.constant 18 : i32
        %broadcast_in_dim3A_199 = vector.broadcast %broadcast_in_dim3A_198 : i32 to vector<16xi32>
        %gather3A_200 = tpu.vector_load_idx %arg11[%add3A_56, %broadcast_in_dim3A_199] : memref<128x32xf32, #tpu.memory_space<vmem>>[vector<16xi32>, vector<16xi32>], vector<16xf32>,
        %broadcast_in_dim3A_201 = arith.constant 26 : i32
        %broadcast_in_dim3A_202 = vector.broadcast %broadcast_in_dim3A_201 : i32 to vector<16xi32>
        %gather3A_203 = tpu.vector_load_idx %arg11[%add3A_56, %broadcast_in_dim3A_202] : memref<128x32xf32, #tpu.memory_space<vmem>>[vector<16xi32>, vector<16xi32>], vector<16xf32>,
        %mul3A_204 = arith.mulf %gather3A_182, %gather3A : vector<16xf32>
        %mul3A_205 = arith.mulf %mul3A_204, %gather3A_194 : vector<16xf32>
        %broadcast_in_dim3A_206 = arith.constant 2 : i32
        %broadcast_in_dim3A_207 = vector.broadcast %broadcast_in_dim3A_206 : i32 to vector<16xi32>
        tpu.vector_store_idx %arg13[%add3A_56, %broadcast_in_dim3A_207], %mul3A_205 : memref<128x64xf32, #tpu.memory_space<vmem>>[vector<16xi32>, vector<16xi32>], vector<16xf32>,
        %mul3A_208 = arith.mulf %gather3A_185, %gather3A_61 : vector<16xf32>
        %mul3A_209 = arith.mulf %gather3A_188, %gather3A_64 : vector<16xf32>
        %add3A_210 = arith.addf %mul3A_208, %mul3A_209 : vector<16xf32>
        %mul3A_211 = arith.mulf %gather3A_191, %gather3A_67 : vector<16xf32>
        %add3A_212 = arith.addf %add3A_210, %mul3A_211 : vector<16xf32>
        %mul3A_213 = arith.mulf %add3A_212, %gather3A_197 : vector<16xf32>
        %broadcast_in_dim3A_214 = arith.constant 10 : i32
        %broadcast_in_dim3A_215 = vector.broadcast %broadcast_in_dim3A_214 : i32 to vector<16xi32>
        tpu.vector_store_idx %arg13[%add3A_56, %broadcast_in_dim3A_215], %mul3A_213 : memref<128x64xf32, #tpu.memory_space<vmem>>[vector<16xi32>, vector<16xi32>], vector<16xf32>,
        %mul3A_216 = arith.mulf %gather3A_182, %gather3A_200 : vector<16xf32>
        %mul3A_217 = arith.mulf %gather3A, %gather3A_203 : vector<16xf32>
        %mul3A_218 = arith.mulf %mul3A_216, %gather3A_61 : vector<16xf32>
        %broadcast_in_dim3A_219 = arith.constant 18 : i32
        %broadcast_in_dim3A_220 = vector.broadcast %broadcast_in_dim3A_219 : i32 to vector<16xi32>
        tpu.vector_store_idx %arg13[%add3A_56, %broadcast_in_dim3A_220], %mul3A_218 : memref<128x64xf32, #tpu.memory_space<vmem>>[vector<16xi32>, vector<16xi32>], vector<16xf32>,
        %mul3A_221 = arith.mulf %gather3A_185, %mul3A_217 : vector<16xf32>
        %broadcast_in_dim3A_222 = arith.constant 26 : i32
        %broadcast_in_dim3A_223 = vector.broadcast %broadcast_in_dim3A_222 : i32 to vector<16xi32>
        tpu.vector_store_idx %arg13[%add3A_56, %broadcast_in_dim3A_223], %mul3A_221 : memref<128x64xf32, #tpu.memory_space<vmem>>[vector<16xi32>, vector<16xi32>], vector<16xf32>,
        %mul3A_224 = arith.mulf %mul3A_216, %gather3A_64 : vector<16xf32>
        %broadcast_in_dim3A_225 = arith.constant 34 : i32
        %broadcast_in_dim3A_226 = vector.broadcast %broadcast_in_dim3A_225 : i32 to vector<16xi32>
        tpu.vector_store_idx %arg13[%add3A_56, %broadcast_in_dim3A_226], %mul3A_224 : memref<128x64xf32, #tpu.memory_space<vmem>>[vector<16xi32>, vector<16xi32>], vector<16xf32>,
        %mul3A_227 = arith.mulf %gather3A_188, %mul3A_217 : vector<16xf32>
        %broadcast_in_dim3A_228 = arith.constant 42 : i32
        %broadcast_in_dim3A_229 = vector.broadcast %broadcast_in_dim3A_228 : i32 to vector<16xi32>
        tpu.vector_store_idx %arg13[%add3A_56, %broadcast_in_dim3A_229], %mul3A_227 : memref<128x64xf32, #tpu.memory_space<vmem>>[vector<16xi32>, vector<16xi32>], vector<16xf32>,
        %mul3A_230 = arith.mulf %mul3A_216, %gather3A_67 : vector<16xf32>
        %broadcast_in_dim3A_231 = arith.constant 50 : i32
        %broadcast_in_dim3A_232 = vector.broadcast %broadcast_in_dim3A_231 : i32 to vector<16xi32>
        tpu.vector_store_idx %arg13[%add3A_56, %broadcast_in_dim3A_232], %mul3A_230 : memref<128x64xf32, #tpu.memory_space<vmem>>[vector<16xi32>, vector<16xi32>], vector<16xf32>,
        %mul3A_233 = arith.mulf %gather3A_191, %mul3A_217 : vector<16xf32>
        %broadcast_in_dim3A_234 = arith.constant 58 : i32
        %broadcast_in_dim3A_235 = vector.broadcast %broadcast_in_dim3A_234 : i32 to vector<16xi32>
        tpu.vector_store_idx %arg13[%add3A_56, %broadcast_in_dim3A_235], %mul3A_233 : memref<128x64xf32, #tpu.memory_space<vmem>>[vector<16xi32>, vector<16xi32>], vector<16xf32>,
        %broadcast_in_dim3A_236 = arith.constant 3 : i32
        %broadcast_in_dim3A_237 = vector.broadcast %broadcast_in_dim3A_236 : i32 to vector<16xi32>
        %gather3A_238 = tpu.vector_load_idx %arg10[%add3A_56, %broadcast_in_dim3A_237] : memref<128x32xf32, #tpu.memory_space<vmem>>[vector<16xi32>, vector<16xi32>], vector<16xf32>,
        %broadcast_in_dim3A_239 = arith.constant 11 : i32
        %broadcast_in_dim3A_240 = vector.broadcast %broadcast_in_dim3A_239 : i32 to vector<16xi32>
        %gather3A_241 = tpu.vector_load_idx %arg10[%add3A_56, %broadcast_in_dim3A_240] : memref<128x32xf32, #tpu.memory_space<vmem>>[vector<16xi32>, vector<16xi32>], vector<16xf32>,
        %broadcast_in_dim3A_242 = arith.constant 19 : i32
        %broadcast_in_dim3A_243 = vector.broadcast %broadcast_in_dim3A_242 : i32 to vector<16xi32>
        %gather3A_244 = tpu.vector_load_idx %arg10[%add3A_56, %broadcast_in_dim3A_243] : memref<128x32xf32, #tpu.memory_space<vmem>>[vector<16xi32>, vector<16xi32>], vector<16xf32>,
        %broadcast_in_dim3A_245 = arith.constant 27 : i32
        %broadcast_in_dim3A_246 = vector.broadcast %broadcast_in_dim3A_245 : i32 to vector<16xi32>
        %gather3A_247 = tpu.vector_load_idx %arg10[%add3A_56, %broadcast_in_dim3A_246] : memref<128x32xf32, #tpu.memory_space<vmem>>[vector<16xi32>, vector<16xi32>], vector<16xf32>,
        %broadcast_in_dim3A_248 = arith.constant 3 : i32
        %broadcast_in_dim3A_249 = vector.broadcast %broadcast_in_dim3A_248 : i32 to vector<16xi32>
        %gather3A_250 = tpu.vector_load_idx %arg11[%add3A_56, %broadcast_in_dim3A_249] : memref<128x32xf32, #tpu.memory_space<vmem>>[vector<16xi32>, vector<16xi32>], vector<16xf32>,
        %broadcast_in_dim3A_251 = arith.constant 11 : i32
        %broadcast_in_dim3A_252 = vector.broadcast %broadcast_in_dim3A_251 : i32 to vector<16xi32>
        %gather3A_253 = tpu.vector_load_idx %arg11[%add3A_56, %broadcast_in_dim3A_252] : memref<128x32xf32, #tpu.memory_space<vmem>>[vector<16xi32>, vector<16xi32>], vector<16xf32>,
        %broadcast_in_dim3A_254 = arith.constant 19 : i32
        %broadcast_in_dim3A_255 = vector.broadcast %broadcast_in_dim3A_254 : i32 to vector<16xi32>
        %gather3A_256 = tpu.vector_load_idx %arg11[%add3A_56, %broadcast_in_dim3A_255] : memref<128x32xf32, #tpu.memory_space<vmem>>[vector<16xi32>, vector<16xi32>], vector<16xf32>,
        %broadcast_in_dim3A_257 = arith.constant 27 : i32
        %broadcast_in_dim3A_258 = vector.broadcast %broadcast_in_dim3A_257 : i32 to vector<16xi32>
        %gather3A_259 = tpu.vector_load_idx %arg11[%add3A_56, %broadcast_in_dim3A_258] : memref<128x32xf32, #tpu.memory_space<vmem>>[vector<16xi32>, vector<16xi32>], vector<16xf32>,
        %mul3A_260 = arith.mulf %gather3A_238, %gather3A : vector<16xf32>
        %mul3A_261 = arith.mulf %mul3A_260, %gather3A_250 : vector<16xf32>
        %broadcast_in_dim3A_262 = arith.constant 3 : i32
        %broadcast_in_dim3A_263 = vector.broadcast %broadcast_in_dim3A_262 : i32 to vector<16xi32>
        tpu.vector_store_idx %arg13[%add3A_56, %broadcast_in_dim3A_263], %mul3A_261 : memref<128x64xf32, #tpu.memory_space<vmem>>[vector<16xi32>, vector<16xi32>], vector<16xf32>,
        %mul3A_264 = arith.mulf %gather3A_241, %gather3A_61 : vector<16xf32>
        %mul3A_265 = arith.mulf %gather3A_244, %gather3A_64 : vector<16xf32>
        %add3A_266 = arith.addf %mul3A_264, %mul3A_265 : vector<16xf32>
        %mul3A_267 = arith.mulf %gather3A_247, %gather3A_67 : vector<16xf32>
        %add3A_268 = arith.addf %add3A_266, %mul3A_267 : vector<16xf32>
        %mul3A_269 = arith.mulf %add3A_268, %gather3A_253 : vector<16xf32>
        %broadcast_in_dim3A_270 = arith.constant 11 : i32
        %broadcast_in_dim3A_271 = vector.broadcast %broadcast_in_dim3A_270 : i32 to vector<16xi32>
        tpu.vector_store_idx %arg13[%add3A_56, %broadcast_in_dim3A_271], %mul3A_269 : memref<128x64xf32, #tpu.memory_space<vmem>>[vector<16xi32>, vector<16xi32>], vector<16xf32>,
        %mul3A_272 = arith.mulf %gather3A_238, %gather3A_256 : vector<16xf32>
        %mul3A_273 = arith.mulf %gather3A, %gather3A_259 : vector<16xf32>
        %mul3A_274 = arith.mulf %mul3A_272, %gather3A_61 : vector<16xf32>
        %broadcast_in_dim3A_275 = arith.constant 19 : i32
        %broadcast_in_dim3A_276 = vector.broadcast %broadcast_in_dim3A_275 : i32 to vector<16xi32>
        tpu.vector_store_idx %arg13[%add3A_56, %broadcast_in_dim3A_276], %mul3A_274 : memref<128x64xf32, #tpu.memory_space<vmem>>[vector<16xi32>, vector<16xi32>], vector<16xf32>,
        %mul3A_277 = arith.mulf %gather3A_241, %mul3A_273 : vector<16xf32>
        %broadcast_in_dim3A_278 = arith.constant 27 : i32
        %broadcast_in_dim3A_279 = vector.broadcast %broadcast_in_dim3A_278 : i32 to vector<16xi32>
        tpu.vector_store_idx %arg13[%add3A_56, %broadcast_in_dim3A_279], %mul3A_277 : memref<128x64xf32, #tpu.memory_space<vmem>>[vector<16xi32>, vector<16xi32>], vector<16xf32>,
        %mul3A_280 = arith.mulf %mul3A_272, %gather3A_64 : vector<16xf32>
        %broadcast_in_dim3A_281 = arith.constant 35 : i32
        %broadcast_in_dim3A_282 = vector.broadcast %broadcast_in_dim3A_281 : i32 to vector<16xi32>
        tpu.vector_store_idx %arg13[%add3A_56, %broadcast_in_dim3A_282], %mul3A_280 : memref<128x64xf32, #tpu.memory_space<vmem>>[vector<16xi32>, vector<16xi32>], vector<16xf32>,
        %mul3A_283 = arith.mulf %gather3A_244, %mul3A_273 : vector<16xf32>
        %broadcast_in_dim3A_284 = arith.constant 43 : i32
        %broadcast_in_dim3A_285 = vector.broadcast %broadcast_in_dim3A_284 : i32 to vector<16xi32>
        tpu.vector_store_idx %arg13[%add3A_56, %broadcast_in_dim3A_285], %mul3A_283 : memref<128x64xf32, #tpu.memory_space<vmem>>[vector<16xi32>, vector<16xi32>], vector<16xf32>,
        %mul3A_286 = arith.mulf %mul3A_272, %gather3A_67 : vector<16xf32>
        %broadcast_in_dim3A_287 = arith.constant 51 : i32
        %broadcast_in_dim3A_288 = vector.broadcast %broadcast_in_dim3A_287 : i32 to vector<16xi32>
        tpu.vector_store_idx %arg13[%add3A_56, %broadcast_in_dim3A_288], %mul3A_286 : memref<128x64xf32, #tpu.memory_space<vmem>>[vector<16xi32>, vector<16xi32>], vector<16xf32>,
        %mul3A_289 = arith.mulf %gather3A_247, %mul3A_273 : vector<16xf32>
        %broadcast_in_dim3A_290 = arith.constant 59 : i32
        %broadcast_in_dim3A_291 = vector.broadcast %broadcast_in_dim3A_290 : i32 to vector<16xi32>
        tpu.vector_store_idx %arg13[%add3A_56, %broadcast_in_dim3A_291], %mul3A_289 : memref<128x64xf32, #tpu.memory_space<vmem>>[vector<16xi32>, vector<16xi32>], vector<16xf32>,
        %broadcast_in_dim3A_292 = arith.constant 4 : i32
        %broadcast_in_dim3A_293 = vector.broadcast %broadcast_in_dim3A_292 : i32 to vector<16xi32>
        %gather3A_294 = tpu.vector_load_idx %arg10[%add3A_56, %broadcast_in_dim3A_293] : memref<128x32xf32, #tpu.memory_space<vmem>>[vector<16xi32>, vector<16xi32>], vector<16xf32>,
        %broadcast_in_dim3A_295 = arith.constant 12 : i32
        %broadcast_in_dim3A_296 = vector.broadcast %broadcast_in_dim3A_295 : i32 to vector<16xi32>
        %gather3A_297 = tpu.vector_load_idx %arg10[%add3A_56, %broadcast_in_dim3A_296] : memref<128x32xf32, #tpu.memory_space<vmem>>[vector<16xi32>, vector<16xi32>], vector<16xf32>,
        %broadcast_in_dim3A_298 = arith.constant 20 : i32
        %broadcast_in_dim3A_299 = vector.broadcast %broadcast_in_dim3A_298 : i32 to vector<16xi32>
        %gather3A_300 = tpu.vector_load_idx %arg10[%add3A_56, %broadcast_in_dim3A_299] : memref<128x32xf32, #tpu.memory_space<vmem>>[vector<16xi32>, vector<16xi32>], vector<16xf32>,
        %broadcast_in_dim3A_301 = arith.constant 28 : i32
        %broadcast_in_dim3A_302 = vector.broadcast %broadcast_in_dim3A_301 : i32 to vector<16xi32>
        %gather3A_303 = tpu.vector_load_idx %arg10[%add3A_56, %broadcast_in_dim3A_302] : memref<128x32xf32, #tpu.memory_space<vmem>>[vector<16xi32>, vector<16xi32>], vector<16xf32>,
        %broadcast_in_dim3A_304 = arith.constant 4 : i32
        %broadcast_in_dim3A_305 = vector.broadcast %broadcast_in_dim3A_304 : i32 to vector<16xi32>
        %gather3A_306 = tpu.vector_load_idx %arg11[%add3A_56, %broadcast_in_dim3A_305] : memref<128x32xf32, #tpu.memory_space<vmem>>[vector<16xi32>, vector<16xi32>], vector<16xf32>,
        %broadcast_in_dim3A_307 = arith.constant 12 : i32
        %broadcast_in_dim3A_308 = vector.broadcast %broadcast_in_dim3A_307 : i32 to vector<16xi32>
        %gather3A_309 = tpu.vector_load_idx %arg11[%add3A_56, %broadcast_in_dim3A_308] : memref<128x32xf32, #tpu.memory_space<vmem>>[vector<16xi32>, vector<16xi32>], vector<16xf32>,
        %broadcast_in_dim3A_310 = arith.constant 20 : i32
        %broadcast_in_dim3A_311 = vector.broadcast %broadcast_in_dim3A_310 : i32 to vector<16xi32>
        %gather3A_312 = tpu.vector_load_idx %arg11[%add3A_56, %broadcast_in_dim3A_311] : memref<128x32xf32, #tpu.memory_space<vmem>>[vector<16xi32>, vector<16xi32>], vector<16xf32>,
        %broadcast_in_dim3A_313 = arith.constant 28 : i32
        %broadcast_in_dim3A_314 = vector.broadcast %broadcast_in_dim3A_313 : i32 to vector<16xi32>
        %gather3A_315 = tpu.vector_load_idx %arg11[%add3A_56, %broadcast_in_dim3A_314] : memref<128x32xf32, #tpu.memory_space<vmem>>[vector<16xi32>, vector<16xi32>], vector<16xf32>,
        %mul3A_316 = arith.mulf %gather3A_294, %gather3A : vector<16xf32>
        %mul3A_317 = arith.mulf %mul3A_316, %gather3A_306 : vector<16xf32>
        %broadcast_in_dim3A_318 = arith.constant 4 : i32
        %broadcast_in_dim3A_319 = vector.broadcast %broadcast_in_dim3A_318 : i32 to vector<16xi32>
        tpu.vector_store_idx %arg13[%add3A_56, %broadcast_in_dim3A_319], %mul3A_317 : memref<128x64xf32, #tpu.memory_space<vmem>>[vector<16xi32>, vector<16xi32>], vector<16xf32>,
        %mul3A_320 = arith.mulf %gather3A_297, %gather3A_61 : vector<16xf32>
        %mul3A_321 = arith.mulf %gather3A_300, %gather3A_64 : vector<16xf32>
        %add3A_322 = arith.addf %mul3A_320, %mul3A_321 : vector<16xf32>
        %mul3A_323 = arith.mulf %gather3A_303, %gather3A_67 : vector<16xf32>
        %add3A_324 = arith.addf %add3A_322, %mul3A_323 : vector<16xf32>
        %mul3A_325 = arith.mulf %add3A_324, %gather3A_309 : vector<16xf32>
        %broadcast_in_dim3A_326 = arith.constant 12 : i32
        %broadcast_in_dim3A_327 = vector.broadcast %broadcast_in_dim3A_326 : i32 to vector<16xi32>
        tpu.vector_store_idx %arg13[%add3A_56, %broadcast_in_dim3A_327], %mul3A_325 : memref<128x64xf32, #tpu.memory_space<vmem>>[vector<16xi32>, vector<16xi32>], vector<16xf32>,
        %mul3A_328 = arith.mulf %gather3A_294, %gather3A_312 : vector<16xf32>
        %mul3A_329 = arith.mulf %gather3A, %gather3A_315 : vector<16xf32>
        %mul3A_330 = arith.mulf %mul3A_328, %gather3A_61 : vector<16xf32>
        %broadcast_in_dim3A_331 = arith.constant 20 : i32
        %broadcast_in_dim3A_332 = vector.broadcast %broadcast_in_dim3A_331 : i32 to vector<16xi32>
        tpu.vector_store_idx %arg13[%add3A_56, %broadcast_in_dim3A_332], %mul3A_330 : memref<128x64xf32, #tpu.memory_space<vmem>>[vector<16xi32>, vector<16xi32>], vector<16xf32>,
        %mul3A_333 = arith.mulf %gather3A_297, %mul3A_329 : vector<16xf32>
        %broadcast_in_dim3A_334 = arith.constant 28 : i32
        %broadcast_in_dim3A_335 = vector.broadcast %broadcast_in_dim3A_334 : i32 to vector<16xi32>
        tpu.vector_store_idx %arg13[%add3A_56, %broadcast_in_dim3A_335], %mul3A_333 : memref<128x64xf32, #tpu.memory_space<vmem>>[vector<16xi32>, vector<16xi32>], vector<16xf32>,
        %mul3A_336 = arith.mulf %mul3A_328, %gather3A_64 : vector<16xf32>
        %broadcast_in_dim3A_337 = arith.constant 36 : i32
        %broadcast_in_dim3A_338 = vector.broadcast %broadcast_in_dim3A_337 : i32 to vector<16xi32>
        tpu.vector_store_idx %arg13[%add3A_56, %broadcast_in_dim3A_338], %mul3A_336 : memref<128x64xf32, #tpu.memory_space<vmem>>[vector<16xi32>, vector<16xi32>], vector<16xf32>,
        %mul3A_339 = arith.mulf %gather3A_300, %mul3A_329 : vector<16xf32>
        %broadcast_in_dim3A_340 = arith.constant 44 : i32
        %broadcast_in_dim3A_341 = vector.broadcast %broadcast_in_dim3A_340 : i32 to vector<16xi32>
        tpu.vector_store_idx %arg13[%add3A_56, %broadcast_in_dim3A_341], %mul3A_339 : memref<128x64xf32, #tpu.memory_space<vmem>>[vector<16xi32>, vector<16xi32>], vector<16xf32>,
        %mul3A_342 = arith.mulf %mul3A_328, %gather3A_67 : vector<16xf32>
        %broadcast_in_dim3A_343 = arith.constant 52 : i32
        %broadcast_in_dim3A_344 = vector.broadcast %broadcast_in_dim3A_343 : i32 to vector<16xi32>
        tpu.vector_store_idx %arg13[%add3A_56, %broadcast_in_dim3A_344], %mul3A_342 : memref<128x64xf32, #tpu.memory_space<vmem>>[vector<16xi32>, vector<16xi32>], vector<16xf32>,
        %mul3A_345 = arith.mulf %gather3A_303, %mul3A_329 : vector<16xf32>
        %broadcast_in_dim3A_346 = arith.constant 60 : i32
        %broadcast_in_dim3A_347 = vector.broadcast %broadcast_in_dim3A_346 : i32 to vector<16xi32>
        tpu.vector_store_idx %arg13[%add3A_56, %broadcast_in_dim3A_347], %mul3A_345 : memref<128x64xf32, #tpu.memory_space<vmem>>[vector<16xi32>, vector<16xi32>], vector<16xf32>,
        %broadcast_in_dim3A_348 = arith.constant 5 : i32
        %broadcast_in_dim3A_349 = vector.broadcast %broadcast_in_dim3A_348 : i32 to vector<16xi32>
        %gather3A_350 = tpu.vector_load_idx %arg10[%add3A_56, %broadcast_in_dim3A_349] : memref<128x32xf32, #tpu.memory_space<vmem>>[vector<16xi32>, vector<16xi32>], vector<16xf32>,
        %broadcast_in_dim3A_351 = arith.constant 13 : i32
        %broadcast_in_dim3A_352 = vector.broadcast %broadcast_in_dim3A_351 : i32 to vector<16xi32>
        %gather3A_353 = tpu.vector_load_idx %arg10[%add3A_56, %broadcast_in_dim3A_352] : memref<128x32xf32, #tpu.memory_space<vmem>>[vector<16xi32>, vector<16xi32>], vector<16xf32>,
        %broadcast_in_dim3A_354 = arith.constant 21 : i32
        %broadcast_in_dim3A_355 = vector.broadcast %broadcast_in_dim3A_354 : i32 to vector<16xi32>
        %gather3A_356 = tpu.vector_load_idx %arg10[%add3A_56, %broadcast_in_dim3A_355] : memref<128x32xf32, #tpu.memory_space<vmem>>[vector<16xi32>, vector<16xi32>], vector<16xf32>,
        %broadcast_in_dim3A_357 = arith.constant 29 : i32
        %broadcast_in_dim3A_358 = vector.broadcast %broadcast_in_dim3A_357 : i32 to vector<16xi32>
        %gather3A_359 = tpu.vector_load_idx %arg10[%add3A_56, %broadcast_in_dim3A_358] : memref<128x32xf32, #tpu.memory_space<vmem>>[vector<16xi32>, vector<16xi32>], vector<16xf32>,
        %broadcast_in_dim3A_360 = arith.constant 5 : i32
        %broadcast_in_dim3A_361 = vector.broadcast %broadcast_in_dim3A_360 : i32 to vector<16xi32>
        %gather3A_362 = tpu.vector_load_idx %arg11[%add3A_56, %broadcast_in_dim3A_361] : memref<128x32xf32, #tpu.memory_space<vmem>>[vector<16xi32>, vector<16xi32>], vector<16xf32>,
        %broadcast_in_dim3A_363 = arith.constant 13 : i32
        %broadcast_in_dim3A_364 = vector.broadcast %broadcast_in_dim3A_363 : i32 to vector<16xi32>
        %gather3A_365 = tpu.vector_load_idx %arg11[%add3A_56, %broadcast_in_dim3A_364] : memref<128x32xf32, #tpu.memory_space<vmem>>[vector<16xi32>, vector<16xi32>], vector<16xf32>,
        %broadcast_in_dim3A_366 = arith.constant 21 : i32
        %broadcast_in_dim3A_367 = vector.broadcast %broadcast_in_dim3A_366 : i32 to vector<16xi32>
        %gather3A_368 = tpu.vector_load_idx %arg11[%add3A_56, %broadcast_in_dim3A_367] : memref<128x32xf32, #tpu.memory_space<vmem>>[vector<16xi32>, vector<16xi32>], vector<16xf32>,
        %broadcast_in_dim3A_369 = arith.constant 29 : i32
        %broadcast_in_dim3A_370 = vector.broadcast %broadcast_in_dim3A_369 : i32 to vector<16xi32>
        %gather3A_371 = tpu.vector_load_idx %arg11[%add3A_56, %broadcast_in_dim3A_370] : memref<128x32xf32, #tpu.memory_space<vmem>>[vector<16xi32>, vector<16xi32>], vector<16xf32>,
        %mul3A_372 = arith.mulf %gather3A_350, %gather3A : vector<16xf32>
        %mul3A_373 = arith.mulf %mul3A_372, %gather3A_362 : vector<16xf32>
        %broadcast_in_dim3A_374 = arith.constant 5 : i32
        %broadcast_in_dim3A_375 = vector.broadcast %broadcast_in_dim3A_374 : i32 to vector<16xi32>
        tpu.vector_store_idx %arg13[%add3A_56, %broadcast_in_dim3A_375], %mul3A_373 : memref<128x64xf32, #tpu.memory_space<vmem>>[vector<16xi32>, vector<16xi32>], vector<16xf32>,
        %mul3A_376 = arith.mulf %gather3A_353, %gather3A_61 : vector<16xf32>
        %mul3A_377 = arith.mulf %gather3A_356, %gather3A_64 : vector<16xf32>
        %add3A_378 = arith.addf %mul3A_376, %mul3A_377 : vector<16xf32>
        %mul3A_379 = arith.mulf %gather3A_359, %gather3A_67 : vector<16xf32>
        %add3A_380 = arith.addf %add3A_378, %mul3A_379 : vector<16xf32>
        %mul3A_381 = arith.mulf %add3A_380, %gather3A_365 : vector<16xf32>
        %broadcast_in_dim3A_382 = arith.constant 13 : i32
        %broadcast_in_dim3A_383 = vector.broadcast %broadcast_in_dim3A_382 : i32 to vector<16xi32>
        tpu.vector_store_idx %arg13[%add3A_56, %broadcast_in_dim3A_383], %mul3A_381 : memref<128x64xf32, #tpu.memory_space<vmem>>[vector<16xi32>, vector<16xi32>], vector<16xf32>,
        %mul3A_384 = arith.mulf %gather3A_350, %gather3A_368 : vector<16xf32>
        %mul3A_385 = arith.mulf %gather3A, %gather3A_371 : vector<16xf32>
        %mul3A_386 = arith.mulf %mul3A_384, %gather3A_61 : vector<16xf32>
        %broadcast_in_dim3A_387 = arith.constant 21 : i32
        %broadcast_in_dim3A_388 = vector.broadcast %broadcast_in_dim3A_387 : i32 to vector<16xi32>
        tpu.vector_store_idx %arg13[%add3A_56, %broadcast_in_dim3A_388], %mul3A_386 : memref<128x64xf32, #tpu.memory_space<vmem>>[vector<16xi32>, vector<16xi32>], vector<16xf32>,
        %mul3A_389 = arith.mulf %gather3A_353, %mul3A_385 : vector<16xf32>
        %broadcast_in_dim3A_390 = arith.constant 29 : i32
        %broadcast_in_dim3A_391 = vector.broadcast %broadcast_in_dim3A_390 : i32 to vector<16xi32>
        tpu.vector_store_idx %arg13[%add3A_56, %broadcast_in_dim3A_391], %mul3A_389 : memref<128x64xf32, #tpu.memory_space<vmem>>[vector<16xi32>, vector<16xi32>], vector<16xf32>,
        %mul3A_392 = arith.mulf %mul3A_384, %gather3A_64 : vector<16xf32>
        %broadcast_in_dim3A_393 = arith.constant 37 : i32
        %broadcast_in_dim3A_394 = vector.broadcast %broadcast_in_dim3A_393 : i32 to vector<16xi32>
        tpu.vector_store_idx %arg13[%add3A_56, %broadcast_in_dim3A_394], %mul3A_392 : memref<128x64xf32, #tpu.memory_space<vmem>>[vector<16xi32>, vector<16xi32>], vector<16xf32>,
        %mul3A_395 = arith.mulf %gather3A_356, %mul3A_385 : vector<16xf32>
        %broadcast_in_dim3A_396 = arith.constant 45 : i32
        %broadcast_in_dim3A_397 = vector.broadcast %broadcast_in_dim3A_396 : i32 to vector<16xi32>
        tpu.vector_store_idx %arg13[%add3A_56, %broadcast_in_dim3A_397], %mul3A_395 : memref<128x64xf32, #tpu.memory_space<vmem>>[vector<16xi32>, vector<16xi32>], vector<16xf32>,
        %mul3A_398 = arith.mulf %mul3A_384, %gather3A_67 : vector<16xf32>
        %broadcast_in_dim3A_399 = arith.constant 53 : i32
        %broadcast_in_dim3A_400 = vector.broadcast %broadcast_in_dim3A_399 : i32 to vector<16xi32>
        tpu.vector_store_idx %arg13[%add3A_56, %broadcast_in_dim3A_400], %mul3A_398 : memref<128x64xf32, #tpu.memory_space<vmem>>[vector<16xi32>, vector<16xi32>], vector<16xf32>,
        %mul3A_401 = arith.mulf %gather3A_359, %mul3A_385 : vector<16xf32>
        %broadcast_in_dim3A_402 = arith.constant 61 : i32
        %broadcast_in_dim3A_403 = vector.broadcast %broadcast_in_dim3A_402 : i32 to vector<16xi32>
        tpu.vector_store_idx %arg13[%add3A_56, %broadcast_in_dim3A_403], %mul3A_401 : memref<128x64xf32, #tpu.memory_space<vmem>>[vector<16xi32>, vector<16xi32>], vector<16xf32>,
        %broadcast_in_dim3A_404 = arith.constant 6 : i32
        %broadcast_in_dim3A_405 = vector.broadcast %broadcast_in_dim3A_404 : i32 to vector<16xi32>
        %gather3A_406 = tpu.vector_load_idx %arg10[%add3A_56, %broadcast_in_dim3A_405] : memref<128x32xf32, #tpu.memory_space<vmem>>[vector<16xi32>, vector<16xi32>], vector<16xf32>,
        %broadcast_in_dim3A_407 = arith.constant 14 : i32
        %broadcast_in_dim3A_408 = vector.broadcast %broadcast_in_dim3A_407 : i32 to vector<16xi32>
        %gather3A_409 = tpu.vector_load_idx %arg10[%add3A_56, %broadcast_in_dim3A_408] : memref<128x32xf32, #tpu.memory_space<vmem>>[vector<16xi32>, vector<16xi32>], vector<16xf32>,
        %broadcast_in_dim3A_410 = arith.constant 22 : i32
        %broadcast_in_dim3A_411 = vector.broadcast %broadcast_in_dim3A_410 : i32 to vector<16xi32>
        %gather3A_412 = tpu.vector_load_idx %arg10[%add3A_56, %broadcast_in_dim3A_411] : memref<128x32xf32, #tpu.memory_space<vmem>>[vector<16xi32>, vector<16xi32>], vector<16xf32>,
        %broadcast_in_dim3A_413 = arith.constant 30 : i32
        %broadcast_in_dim3A_414 = vector.broadcast %broadcast_in_dim3A_413 : i32 to vector<16xi32>
        %gather3A_415 = tpu.vector_load_idx %arg10[%add3A_56, %broadcast_in_dim3A_414] : memref<128x32xf32, #tpu.memory_space<vmem>>[vector<16xi32>, vector<16xi32>], vector<16xf32>,
        %broadcast_in_dim3A_416 = arith.constant 6 : i32
        %broadcast_in_dim3A_417 = vector.broadcast %broadcast_in_dim3A_416 : i32 to vector<16xi32>
        %gather3A_418 = tpu.vector_load_idx %arg11[%add3A_56, %broadcast_in_dim3A_417] : memref<128x32xf32, #tpu.memory_space<vmem>>[vector<16xi32>, vector<16xi32>], vector<16xf32>,
        %broadcast_in_dim3A_419 = arith.constant 14 : i32
        %broadcast_in_dim3A_420 = vector.broadcast %broadcast_in_dim3A_419 : i32 to vector<16xi32>
        %gather3A_421 = tpu.vector_load_idx %arg11[%add3A_56, %broadcast_in_dim3A_420] : memref<128x32xf32, #tpu.memory_space<vmem>>[vector<16xi32>, vector<16xi32>], vector<16xf32>,
        %broadcast_in_dim3A_422 = arith.constant 22 : i32
        %broadcast_in_dim3A_423 = vector.broadcast %broadcast_in_dim3A_422 : i32 to vector<16xi32>
        %gather3A_424 = tpu.vector_load_idx %arg11[%add3A_56, %broadcast_in_dim3A_423] : memref<128x32xf32, #tpu.memory_space<vmem>>[vector<16xi32>, vector<16xi32>], vector<16xf32>,
        %broadcast_in_dim3A_425 = arith.constant 30 : i32
        %broadcast_in_dim3A_426 = vector.broadcast %broadcast_in_dim3A_425 : i32 to vector<16xi32>
        %gather3A_427 = tpu.vector_load_idx %arg11[%add3A_56, %broadcast_in_dim3A_426] : memref<128x32xf32, #tpu.memory_space<vmem>>[vector<16xi32>, vector<16xi32>], vector<16xf32>,
        %mul3A_428 = arith.mulf %gather3A_406, %gather3A : vector<16xf32>
        %mul3A_429 = arith.mulf %mul3A_428, %gather3A_418 : vector<16xf32>
        %broadcast_in_dim3A_430 = arith.constant 6 : i32
        %broadcast_in_dim3A_431 = vector.broadcast %broadcast_in_dim3A_430 : i32 to vector<16xi32>
        tpu.vector_store_idx %arg13[%add3A_56, %broadcast_in_dim3A_431], %mul3A_429 : memref<128x64xf32, #tpu.memory_space<vmem>>[vector<16xi32>, vector<16xi32>], vector<16xf32>,
        %mul3A_432 = arith.mulf %gather3A_409, %gather3A_61 : vector<16xf32>
        %mul3A_433 = arith.mulf %gather3A_412, %gather3A_64 : vector<16xf32>
        %add3A_434 = arith.addf %mul3A_432, %mul3A_433 : vector<16xf32>
        %mul3A_435 = arith.mulf %gather3A_415, %gather3A_67 : vector<16xf32>
        %add3A_436 = arith.addf %add3A_434, %mul3A_435 : vector<16xf32>
        %mul3A_437 = arith.mulf %add3A_436, %gather3A_421 : vector<16xf32>
        %broadcast_in_dim3A_438 = arith.constant 14 : i32
        %broadcast_in_dim3A_439 = vector.broadcast %broadcast_in_dim3A_438 : i32 to vector<16xi32>
        tpu.vector_store_idx %arg13[%add3A_56, %broadcast_in_dim3A_439], %mul3A_437 : memref<128x64xf32, #tpu.memory_space<vmem>>[vector<16xi32>, vector<16xi32>], vector<16xf32>,
        %mul3A_440 = arith.mulf %gather3A_406, %gather3A_424 : vector<16xf32>
        %mul3A_441 = arith.mulf %gather3A, %gather3A_427 : vector<16xf32>
        %mul3A_442 = arith.mulf %mul3A_440, %gather3A_61 : vector<16xf32>
        %broadcast_in_dim3A_443 = arith.constant 22 : i32
        %broadcast_in_dim3A_444 = vector.broadcast %broadcast_in_dim3A_443 : i32 to vector<16xi32>
        tpu.vector_store_idx %arg13[%add3A_56, %broadcast_in_dim3A_444], %mul3A_442 : memref<128x64xf32, #tpu.memory_space<vmem>>[vector<16xi32>, vector<16xi32>], vector<16xf32>,
        %mul3A_445 = arith.mulf %gather3A_409, %mul3A_441 : vector<16xf32>
        %broadcast_in_dim3A_446 = arith.constant 30 : i32
        %broadcast_in_dim3A_447 = vector.broadcast %broadcast_in_dim3A_446 : i32 to vector<16xi32>
        tpu.vector_store_idx %arg13[%add3A_56, %broadcast_in_dim3A_447], %mul3A_445 : memref<128x64xf32, #tpu.memory_space<vmem>>[vector<16xi32>, vector<16xi32>], vector<16xf32>,
        %mul3A_448 = arith.mulf %mul3A_440, %gather3A_64 : vector<16xf32>
        %broadcast_in_dim3A_449 = arith.constant 38 : i32
        %broadcast_in_dim3A_450 = vector.broadcast %broadcast_in_dim3A_449 : i32 to vector<16xi32>
        tpu.vector_store_idx %arg13[%add3A_56, %broadcast_in_dim3A_450], %mul3A_448 : memref<128x64xf32, #tpu.memory_space<vmem>>[vector<16xi32>, vector<16xi32>], vector<16xf32>,
        %mul3A_451 = arith.mulf %gather3A_412, %mul3A_441 : vector<16xf32>
        %broadcast_in_dim3A_452 = arith.constant 46 : i32
        %broadcast_in_dim3A_453 = vector.broadcast %broadcast_in_dim3A_452 : i32 to vector<16xi32>
        tpu.vector_store_idx %arg13[%add3A_56, %broadcast_in_dim3A_453], %mul3A_451 : memref<128x64xf32, #tpu.memory_space<vmem>>[vector<16xi32>, vector<16xi32>], vector<16xf32>,
        %mul3A_454 = arith.mulf %mul3A_440, %gather3A_67 : vector<16xf32>
        %broadcast_in_dim3A_455 = arith.constant 54 : i32
        %broadcast_in_dim3A_456 = vector.broadcast %broadcast_in_dim3A_455 : i32 to vector<16xi32>
        tpu.vector_store_idx %arg13[%add3A_56, %broadcast_in_dim3A_456], %mul3A_454 : memref<128x64xf32, #tpu.memory_space<vmem>>[vector<16xi32>, vector<16xi32>], vector<16xf32>,
        %mul3A_457 = arith.mulf %gather3A_415, %mul3A_441 : vector<16xf32>
        %broadcast_in_dim3A_458 = arith.constant 62 : i32
        %broadcast_in_dim3A_459 = vector.broadcast %broadcast_in_dim3A_458 : i32 to vector<16xi32>
        tpu.vector_store_idx %arg13[%add3A_56, %broadcast_in_dim3A_459], %mul3A_457 : memref<128x64xf32, #tpu.memory_space<vmem>>[vector<16xi32>, vector<16xi32>], vector<16xf32>,
        %broadcast_in_dim3A_460 = arith.constant 7 : i32
        %broadcast_in_dim3A_461 = vector.broadcast %broadcast_in_dim3A_460 : i32 to vector<16xi32>
        %gather3A_462 = tpu.vector_load_idx %arg10[%add3A_56, %broadcast_in_dim3A_461] : memref<128x32xf32, #tpu.memory_space<vmem>>[vector<16xi32>, vector<16xi32>], vector<16xf32>,
        %broadcast_in_dim3A_463 = arith.constant 15 : i32
        %broadcast_in_dim3A_464 = vector.broadcast %broadcast_in_dim3A_463 : i32 to vector<16xi32>
        %gather3A_465 = tpu.vector_load_idx %arg10[%add3A_56, %broadcast_in_dim3A_464] : memref<128x32xf32, #tpu.memory_space<vmem>>[vector<16xi32>, vector<16xi32>], vector<16xf32>,
        %broadcast_in_dim3A_466 = arith.constant 23 : i32
        %broadcast_in_dim3A_467 = vector.broadcast %broadcast_in_dim3A_466 : i32 to vector<16xi32>
        %gather3A_468 = tpu.vector_load_idx %arg10[%add3A_56, %broadcast_in_dim3A_467] : memref<128x32xf32, #tpu.memory_space<vmem>>[vector<16xi32>, vector<16xi32>], vector<16xf32>,
        %broadcast_in_dim3A_469 = arith.constant 31 : i32
        %broadcast_in_dim3A_470 = vector.broadcast %broadcast_in_dim3A_469 : i32 to vector<16xi32>
        %gather3A_471 = tpu.vector_load_idx %arg10[%add3A_56, %broadcast_in_dim3A_470] : memref<128x32xf32, #tpu.memory_space<vmem>>[vector<16xi32>, vector<16xi32>], vector<16xf32>,
        %broadcast_in_dim3A_472 = arith.constant 7 : i32
        %broadcast_in_dim3A_473 = vector.broadcast %broadcast_in_dim3A_472 : i32 to vector<16xi32>
        %gather3A_474 = tpu.vector_load_idx %arg11[%add3A_56, %broadcast_in_dim3A_473] : memref<128x32xf32, #tpu.memory_space<vmem>>[vector<16xi32>, vector<16xi32>], vector<16xf32>,
        %broadcast_in_dim3A_475 = arith.constant 15 : i32
        %broadcast_in_dim3A_476 = vector.broadcast %broadcast_in_dim3A_475 : i32 to vector<16xi32>
        %gather3A_477 = tpu.vector_load_idx %arg11[%add3A_56, %broadcast_in_dim3A_476] : memref<128x32xf32, #tpu.memory_space<vmem>>[vector<16xi32>, vector<16xi32>], vector<16xf32>,
        %broadcast_in_dim3A_478 = arith.constant 23 : i32
        %broadcast_in_dim3A_479 = vector.broadcast %broadcast_in_dim3A_478 : i32 to vector<16xi32>
        %gather3A_480 = tpu.vector_load_idx %arg11[%add3A_56, %broadcast_in_dim3A_479] : memref<128x32xf32, #tpu.memory_space<vmem>>[vector<16xi32>, vector<16xi32>], vector<16xf32>,
        %broadcast_in_dim3A_481 = arith.constant 31 : i32
        %broadcast_in_dim3A_482 = vector.broadcast %broadcast_in_dim3A_481 : i32 to vector<16xi32>
        %gather3A_483 = tpu.vector_load_idx %arg11[%add3A_56, %broadcast_in_dim3A_482] : memref<128x32xf32, #tpu.memory_space<vmem>>[vector<16xi32>, vector<16xi32>], vector<16xf32>,
        %mul3A_484 = arith.mulf %gather3A_462, %gather3A : vector<16xf32>
        %mul3A_485 = arith.mulf %mul3A_484, %gather3A_474 : vector<16xf32>
        %broadcast_in_dim3A_486 = arith.constant 7 : i32
        %broadcast_in_dim3A_487 = vector.broadcast %broadcast_in_dim3A_486 : i32 to vector<16xi32>
        tpu.vector_store_idx %arg13[%add3A_56, %broadcast_in_dim3A_487], %mul3A_485 : memref<128x64xf32, #tpu.memory_space<vmem>>[vector<16xi32>, vector<16xi32>], vector<16xf32>,
        %mul3A_488 = arith.mulf %gather3A_465, %gather3A_61 : vector<16xf32>
        %mul3A_489 = arith.mulf %gather3A_468, %gather3A_64 : vector<16xf32>
        %add3A_490 = arith.addf %mul3A_488, %mul3A_489 : vector<16xf32>
        %mul3A_491 = arith.mulf %gather3A_471, %gather3A_67 : vector<16xf32>
        %add3A_492 = arith.addf %add3A_490, %mul3A_491 : vector<16xf32>
        %mul3A_493 = arith.mulf %add3A_492, %gather3A_477 : vector<16xf32>
        %broadcast_in_dim3A_494 = arith.constant 15 : i32
        %broadcast_in_dim3A_495 = vector.broadcast %broadcast_in_dim3A_494 : i32 to vector<16xi32>
        tpu.vector_store_idx %arg13[%add3A_56, %broadcast_in_dim3A_495], %mul3A_493 : memref<128x64xf32, #tpu.memory_space<vmem>>[vector<16xi32>, vector<16xi32>], vector<16xf32>,
        %mul3A_496 = arith.mulf %gather3A_462, %gather3A_480 : vector<16xf32>
        %mul3A_497 = arith.mulf %gather3A, %gather3A_483 : vector<16xf32>
        %mul3A_498 = arith.mulf %mul3A_496, %gather3A_61 : vector<16xf32>
        %broadcast_in_dim3A_499 = arith.constant 23 : i32
        %broadcast_in_dim3A_500 = vector.broadcast %broadcast_in_dim3A_499 : i32 to vector<16xi32>
        tpu.vector_store_idx %arg13[%add3A_56, %broadcast_in_dim3A_500], %mul3A_498 : memref<128x64xf32, #tpu.memory_space<vmem>>[vector<16xi32>, vector<16xi32>], vector<16xf32>,
        %mul3A_501 = arith.mulf %gather3A_465, %mul3A_497 : vector<16xf32>
        %broadcast_in_dim3A_502 = arith.constant 31 : i32
        %broadcast_in_dim3A_503 = vector.broadcast %broadcast_in_dim3A_502 : i32 to vector<16xi32>
        tpu.vector_store_idx %arg13[%add3A_56, %broadcast_in_dim3A_503], %mul3A_501 : memref<128x64xf32, #tpu.memory_space<vmem>>[vector<16xi32>, vector<16xi32>], vector<16xf32>,
        %mul3A_504 = arith.mulf %mul3A_496, %gather3A_64 : vector<16xf32>
        %broadcast_in_dim3A_505 = arith.constant 39 : i32
        %broadcast_in_dim3A_506 = vector.broadcast %broadcast_in_dim3A_505 : i32 to vector<16xi32>
        tpu.vector_store_idx %arg13[%add3A_56, %broadcast_in_dim3A_506], %mul3A_504 : memref<128x64xf32, #tpu.memory_space<vmem>>[vector<16xi32>, vector<16xi32>], vector<16xf32>,
        %mul3A_507 = arith.mulf %gather3A_468, %mul3A_497 : vector<16xf32>
        %broadcast_in_dim3A_508 = arith.constant 47 : i32
        %broadcast_in_dim3A_509 = vector.broadcast %broadcast_in_dim3A_508 : i32 to vector<16xi32>
        tpu.vector_store_idx %arg13[%add3A_56, %broadcast_in_dim3A_509], %mul3A_507 : memref<128x64xf32, #tpu.memory_space<vmem>>[vector<16xi32>, vector<16xi32>], vector<16xf32>,
        %mul3A_510 = arith.mulf %mul3A_496, %gather3A_67 : vector<16xf32>
        %broadcast_in_dim3A_511 = arith.constant 55 : i32
        %broadcast_in_dim3A_512 = vector.broadcast %broadcast_in_dim3A_511 : i32 to vector<16xi32>
        tpu.vector_store_idx %arg13[%add3A_56, %broadcast_in_dim3A_512], %mul3A_510 : memref<128x64xf32, #tpu.memory_space<vmem>>[vector<16xi32>, vector<16xi32>], vector<16xf32>,
        %mul3A_513 = arith.mulf %gather3A_471, %mul3A_497 : vector<16xf32>
        %broadcast_in_dim3A_514 = arith.constant 63 : i32
        %broadcast_in_dim3A_515 = vector.broadcast %broadcast_in_dim3A_514 : i32 to vector<16xi32>
        tpu.vector_store_idx %arg13[%add3A_56, %broadcast_in_dim3A_515], %mul3A_513 : memref<128x64xf32, #tpu.memory_space<vmem>>[vector<16xi32>, vector<16xi32>], vector<16xf32>,
      }
      %scan3A_51 = arith.constant 8 : i32
      "tpu.region"() ({
        %run_scoped3A = tpu.sem_alloc : memref<!tpu.dma_semaphore, #tpu.memory_space<semaphore_mem>>
        %dma_start3A_52 = arith.constant 0 : i32
        %dma_start3A_53 = arith.constant 0 : i32
        %dma_start3A_54 = tpu.memref_slice %arg15[%dma_start3A_52, %dma_start3A_53] : memref<10000x64xf32, #tpu.memory_space<vmem_shared>> -> memref<10000x64xf32, #tpu.memory_space<vmem_shared>>
        tpu.enqueue_indirect_dma source(%arg13 : memref<128x64xf32, #tpu.memory_space<vmem>>) target(%dma_start3A_54 : memref<10000x64xf32, #tpu.memory_space<vmem_shared>>) offsets(%arg9 : memref<128xi32, #tpu.memory_space<vmem>>) semaphore(%run_scoped3A : memref<!tpu.dma_semaphore, #tpu.memory_space<semaphore_mem>>) {add = true}
        %dma_wait3A_55 = arith.constant 0 : i32
        %dma_wait3A_56 = arith.constant 0 : i32
        %dma_wait3A_57 = tpu.memref_slice %arg15[%dma_wait3A_55, %dma_wait3A_56] : memref<10000x64xf32, #tpu.memory_space<vmem_shared>> -> memref<10000x64xf32, #tpu.memory_space<vmem_shared>>
        tpu.wait_indirect_dma semaphore(%run_scoped3A : memref<!tpu.dma_semaphore, #tpu.memory_space<semaphore_mem>>) src(%arg13 : memref<128x64xf32, #tpu.memory_space<vmem>>) dst(%dma_wait3A_57 : memref<10000x64xf32, #tpu.memory_space<vmem_shared>>)
        tpu.yield
      }) : () -> ()
    }
    %barrier3A_28 = arith.constant 0 : index
    tpu.barrier barrier_id(%barrier3A_28)
    %mul3A_29 = arith.constant 624 : i32
    %mul3A_30 = arith.muli %arg1, %mul3A_29 : i32
    %mul3A_31 = arith.constant 624 : i32
    %mul3A_32 = arith.muli %arg1, %mul3A_31 : i32
    "tpu.region"() ({
      %run_scoped3A = tpu.sem_alloc : memref<!tpu.dma_semaphore, #tpu.memory_space<semaphore_mem>>
      %dma_start3A = arith.constant 0 : i32
      %dma_start3A_38 = tpu.memref_slice %arg7[%arg0, %mul3A_32, %dma_start3A] : memref<2x10000x64xf32, #tpu.memory_space<hbm>> -> memref<1x624x64xf32, #tpu.memory_space<hbm>>
      %dma_start3A_39 = tpu.memref_squeeze %dma_start3A_38 : memref<1x624x64xf32, #tpu.memory_space<hbm>> -> memref<624x64xf32, #tpu.memory_space<hbm>>
      %dma_start3A_40 = arith.constant 0 : i32
      %dma_start3A_41 = tpu.memref_slice %arg15[%mul3A_30, %dma_start3A_40] : memref<10000x64xf32, #tpu.memory_space<vmem_shared>> -> memref<624x64xf32, #tpu.memory_space<vmem_shared>>
      tpu.enqueue_dma source(%dma_start3A_41 : memref<624x64xf32, #tpu.memory_space<vmem_shared>>) target(%dma_start3A_39 : memref<624x64xf32, #tpu.memory_space<hbm>>) target_semaphore(%run_scoped3A : memref<!tpu.dma_semaphore, #tpu.memory_space<semaphore_mem>>)
      %dma_wait3A = arith.constant 0 : i32
      %dma_wait3A_42 = tpu.memref_slice %arg7[%arg0, %mul3A_32, %dma_wait3A] : memref<2x10000x64xf32, #tpu.memory_space<hbm>> -> memref<1x624x64xf32, #tpu.memory_space<hbm>>
      %dma_wait3A_43 = tpu.memref_squeeze %dma_wait3A_42 : memref<1x624x64xf32, #tpu.memory_space<hbm>> -> memref<624x64xf32, #tpu.memory_space<hbm>>
      %dma_wait3A_44 = arith.constant 0 : i32
      %dma_wait3A_45 = tpu.memref_slice %arg15[%mul3A_30, %dma_wait3A_44] : memref<10000x64xf32, #tpu.memory_space<vmem_shared>> -> memref<624x64xf32, #tpu.memory_space<vmem_shared>>
      tpu.wait_dma2 semaphore(%run_scoped3A : memref<!tpu.dma_semaphore, #tpu.memory_space<semaphore_mem>>) src(%dma_wait3A_45 : memref<624x64xf32, #tpu.memory_space<vmem_shared>>) dst(%dma_wait3A_43 : memref<624x64xf32, #tpu.memory_space<hbm>>)
      tpu.yield
    }) : () -> ()
    %eq3A_33 = arith.constant 0 : i32
    %eq3A_34 = arith.cmpi eq, %arg1, %eq3A_33 : i32
    %convert_element_type3A_35 = arith.extui %eq3A_34 : i1 to i32
    %cond3A_36 = arith.constant 0 : i32
    %cond3A_37 = arith.cmpi ne, %convert_element_type3A_35, %cond3A_36 : i32
    scf.if %cond3A_37 {
      "tpu.region"() ({
        %run_scoped3A = tpu.sem_alloc : memref<!tpu.dma_semaphore, #tpu.memory_space<semaphore_mem>>
        %dma_start3A = arith.constant 9984 : i32
        %dma_start3A_38 = arith.constant 0 : i32
        %dma_start3A_39 = tpu.memref_slice %arg7[%arg0, %dma_start3A, %dma_start3A_38] : memref<2x10000x64xf32, #tpu.memory_space<hbm>> -> memref<1x16x64xf32, #tpu.memory_space<hbm>>
        %dma_start3A_40 = tpu.memref_squeeze %dma_start3A_39 : memref<1x16x64xf32, #tpu.memory_space<hbm>> -> memref<16x64xf32, #tpu.memory_space<hbm>>
        %dma_start3A_41 = arith.constant 9984 : i32
        %dma_start3A_42 = arith.constant 0 : i32
        %dma_start3A_43 = tpu.memref_slice %arg15[%dma_start3A_41, %dma_start3A_42] : memref<10000x64xf32, #tpu.memory_space<vmem_shared>> -> memref<16x64xf32, #tpu.memory_space<vmem_shared>>
        tpu.enqueue_dma source(%dma_start3A_43 : memref<16x64xf32, #tpu.memory_space<vmem_shared>>) target(%dma_start3A_40 : memref<16x64xf32, #tpu.memory_space<hbm>>) target_semaphore(%run_scoped3A : memref<!tpu.dma_semaphore, #tpu.memory_space<semaphore_mem>>)
        %dma_wait3A = arith.constant 9984 : i32
        %dma_wait3A_44 = arith.constant 0 : i32
        %dma_wait3A_45 = tpu.memref_slice %arg7[%arg0, %dma_wait3A, %dma_wait3A_44] : memref<2x10000x64xf32, #tpu.memory_space<hbm>> -> memref<1x16x64xf32, #tpu.memory_space<hbm>>
        %dma_wait3A_46 = tpu.memref_squeeze %dma_wait3A_45 : memref<1x16x64xf32, #tpu.memory_space<hbm>> -> memref<16x64xf32, #tpu.memory_space<hbm>>
        %dma_wait3A_47 = arith.constant 9984 : i32
        %dma_wait3A_48 = arith.constant 0 : i32
        %dma_wait3A_49 = tpu.memref_slice %arg15[%dma_wait3A_47, %dma_wait3A_48] : memref<10000x64xf32, #tpu.memory_space<vmem_shared>> -> memref<16x64xf32, #tpu.memory_space<vmem_shared>>
        tpu.wait_dma2 semaphore(%run_scoped3A : memref<!tpu.dma_semaphore, #tpu.memory_space<semaphore_mem>>) src(%dma_wait3A_49 : memref<16x64xf32, #tpu.memory_space<vmem_shared>>) dst(%dma_wait3A_46 : memref<16x64xf32, #tpu.memory_space<hbm>>)
        tpu.yield
      }) : () -> ()
    } else {
    }
    return
  }
}

module attributes {stable_mosaic.version = 14 : i64} {
  func.func @_t2_body(%arg0: i32, %arg1: memref<4000x20xf32, #tpu.memory_space<vmem>>, %arg2: memref<4000x1xf32, #tpu.memory_space<vmem>>, %arg3: memref<20x8xf32, #tpu.memory_space<vmem>>, %arg4: memref<8xf32, #tpu.memory_space<vmem>>, %arg5: memref<8x32xf32, #tpu.memory_space<vmem>>, %arg6: memref<32xf32, #tpu.memory_space<vmem>>, %arg7: memref<4000x32xf32, #tpu.memory_space<vmem>>) attributes {dimension_semantics = [#tpu.dimension_semantics<arbitrary>], iteration_bounds = array<i64: 80>, scalar_prefetch = 0 : i64, scratch_operands = 0 : i64, tpu.core_type = #tpu.core_type<tc>, window_params = [{transform_indices = @transform_0, window_bounds = array<i64: 4000, 20>}, {transform_indices = @transform_1, window_bounds = array<i64: 4000, 1>}, {pipeline_mode = #tpu.pipeline_mode<synchronous>, transform_indices = @transform_2, window_bounds = array<i64: 20, 8>}, {pipeline_mode = #tpu.pipeline_mode<synchronous>, transform_indices = @transform_3, window_bounds = array<i64: 8>}, {pipeline_mode = #tpu.pipeline_mode<synchronous>, transform_indices = @transform_4, window_bounds = array<i64: 8, 32>}, {pipeline_mode = #tpu.pipeline_mode<synchronous>, transform_indices = @transform_5, window_bounds = array<i64: 32>}, {transform_indices = @transform_6, window_bounds = array<i64: 4000, 32>}]} {
    %get3A = arith.constant 0 : index
    %get3A_0 = arith.constant 0 : index
    %get3A_1 = vector.load %arg1[%get3A, %get3A_0] : memref<4000x20xf32, #tpu.memory_space<vmem>>, vector<4000x20xf32>
    %get3A_2 = arith.constant 0 : index
    %get3A_3 = arith.constant 0 : index
    %get3A_4 = vector.load %arg3[%get3A_2, %get3A_3] : memref<20x8xf32, #tpu.memory_space<vmem>>, vector<20x8xf32>
    %dot_general3A = arith.constant dense<0.000000e+00> : vector<4000x8xf32>
    %dot_general3A_5 = tpu.matmul %get3A_1, %get3A_4, %dot_general3A {dimension_numbers = #tpu.dot_dimension_numbers<[1], [0], [0], [1], [0, 0, 1, 1], [], []>, transpose_lhs_hint = false} : vector<4000x20xf32>, vector<20x8xf32>, vector<4000x8xf32> -> vector<4000x8xf32>
    %get3A_6 = arith.constant 0 : index
    %get3A_7 = vector.load %arg4[%get3A_6] : memref<8xf32, #tpu.memory_space<vmem>>, vector<8xf32>
    %broadcast_in_dim3A = vector.shape_cast %get3A_7 : vector<8xf32> to vector<1x8xf32>
    %add3A = vector.broadcast %broadcast_in_dim3A : vector<1x8xf32> to vector<4000x8xf32>
    %add3A_8 = arith.addf %dot_general3A_5, %add3A : vector<4000x8xf32>
    %neg3A = arith.constant 0.000000e+00 : f32
    %neg3A_9 = vector.broadcast %neg3A : f32 to vector<4000x8xf32>
    %neg3A_10 = arith.subf %neg3A_9, %add3A_8 : vector<4000x8xf32>
    %exp3A = math.exp %neg3A_10 : vector<4000x8xf32>
    %add3A_11 = arith.constant 1.000000e+00 : f32
    %add3A_12 = vector.broadcast %add3A_11 : f32 to vector<4000x8xf32>
    %add3A_13 = arith.addf %add3A_12, %exp3A : vector<4000x8xf32>
    %div3A = arith.constant 1.000000e+00 : f32
    %div3A_14 = vector.broadcast %div3A : f32 to vector<4000x8xf32>
    %div3A_15 = arith.divf %div3A_14, %add3A_13 : vector<4000x8xf32>
    %mul3A = arith.mulf %add3A_8, %div3A_15 : vector<4000x8xf32>
    %get3A_16 = arith.constant 0 : index
    %get3A_17 = arith.constant 0 : index
    %get3A_18 = vector.load %arg5[%get3A_16, %get3A_17] : memref<8x32xf32, #tpu.memory_space<vmem>>, vector<8x32xf32>
    %dot_general3A_19 = arith.constant dense<0.000000e+00> : vector<4000x32xf32>
    %dot_general3A_20 = tpu.matmul %mul3A, %get3A_18, %dot_general3A_19 {dimension_numbers = #tpu.dot_dimension_numbers<[1], [0], [0], [1], [0, 0, 1, 1], [], []>, transpose_lhs_hint = false} : vector<4000x8xf32>, vector<8x32xf32>, vector<4000x32xf32> -> vector<4000x32xf32>
    %get3A_21 = arith.constant 0 : index
    %get3A_22 = vector.load %arg6[%get3A_21] : memref<32xf32, #tpu.memory_space<vmem>>, vector<32xf32>
    %broadcast_in_dim3A_23 = vector.shape_cast %get3A_22 : vector<32xf32> to vector<1x32xf32>
    %add3A_24 = vector.broadcast %broadcast_in_dim3A_23 : vector<1x32xf32> to vector<4000x32xf32>
    %add3A_25 = arith.addf %dot_general3A_20, %add3A_24 : vector<4000x32xf32>
    %get3A_26 = arith.constant 0 : index
    %get3A_27 = arith.constant 0 : index
    %get3A_28 = vector.load %arg2[%get3A_26, %get3A_27] : memref<4000x1xf32, #tpu.memory_space<vmem>>, vector<4000x1xf32>
    %mul3A_29 = vector.broadcast %get3A_28 : vector<4000x1xf32> to vector<4000x32xf32>
    %mul3A_30 = arith.mulf %add3A_25, %mul3A_29 : vector<4000x32xf32>
    %swap3A = arith.constant 0 : index
    %swap3A_31 = arith.constant 0 : index
    %swap3A_32 = vector.load %arg7[%swap3A, %swap3A_31] : memref<4000x32xf32, #tpu.memory_space<vmem>>, vector<4000x32xf32>
    tpu.vector_store %arg7[%swap3A, %swap3A_31], %mul3A_30 {strides = array<i32>} : memref<4000x32xf32, #tpu.memory_space<vmem>>, vector<4000x32xf32>,
    return
  }
  func.func @transform_0(%arg0: i32) -> (i32, i32) {
    %c0_i32 = arith.constant 0 : i32
    %c0_i32_0 = arith.constant 0 : i32
    return %arg0, %c0_i32 : i32, i32
  }
  func.func @transform_1(%arg0: i32) -> (i32, i32) {
    %c0_i32 = arith.constant 0 : i32
    %c0_i32_0 = arith.constant 0 : i32
    return %arg0, %c0_i32 : i32, i32
  }
  func.func @transform_2(%arg0: i32) -> (i32, i32) {
    %c0_i32 = arith.constant 0 : i32
    %c0_i32_0 = arith.constant 0 : i32
    %c0_i32_1 = arith.constant 0 : i32
    return %c0_i32, %c0_i32_0 : i32, i32
  }
  func.func @transform_3(%arg0: i32) -> i32 {
    %c0_i32 = arith.constant 0 : i32
    %c0_i32_0 = arith.constant 0 : i32
    return %c0_i32 : i32
  }
  func.func @transform_4(%arg0: i32) -> (i32, i32) {
    %c0_i32 = arith.constant 0 : i32
    %c0_i32_0 = arith.constant 0 : i32
    %c0_i32_1 = arith.constant 0 : i32
    return %c0_i32, %c0_i32_0 : i32, i32
  }
  func.func @transform_5(%arg0: i32) -> i32 {
    %c0_i32 = arith.constant 0 : i32
    %c0_i32_0 = arith.constant 0 : i32
    return %c0_i32 : i32
  }
  func.func @transform_6(%arg0: i32) -> (i32, i32) {
    %c0_i32 = arith.constant 0 : i32
    %c0_i32_0 = arith.constant 0 : i32
    return %arg0, %c0_i32 : i32, i32
  }
}

module attributes {stable_mosaic.version = 14 : i64} {
  func.func @_t1_body(%arg0: i32, %arg1: memref<2000x128xf32, #tpu.memory_space<vmem>>, %arg2: memref<128x32xf32, #tpu.memory_space<vmem>>, %arg3: memref<2000x32xf32, #tpu.memory_space<vmem>>) attributes {dimension_semantics = [#tpu.dimension_semantics<arbitrary>], iteration_bounds = array<i64: 5>, scalar_prefetch = 0 : i64, scratch_operands = 0 : i64, tpu.core_type = #tpu.core_type<tc>, window_params = [{transform_indices = @transform_0, window_bounds = array<i64: 2000, 128>}, {pipeline_mode = #tpu.pipeline_mode<synchronous>, transform_indices = @transform_1, window_bounds = array<i64: 128, 32>}, {transform_indices = @transform_2, window_bounds = array<i64: 2000, 32>}]} {
    %get3A = arith.constant 0 : index
    %get3A_0 = arith.constant 0 : index
    %get3A_1 = vector.load %arg1[%get3A, %get3A_0] : memref<2000x128xf32, #tpu.memory_space<vmem>>, vector<2000x128xf32>
    %get3A_2 = arith.constant 0 : index
    %get3A_3 = arith.constant 0 : index
    %get3A_4 = vector.load %arg2[%get3A_2, %get3A_3] : memref<128x32xf32, #tpu.memory_space<vmem>>, vector<128x32xf32>
    %dot_general3A = arith.constant dense<0.000000e+00> : vector<2000x32xf32>
    %dot_general3A_5 = tpu.matmul %get3A_1, %get3A_4, %dot_general3A {dimension_numbers = #tpu.dot_dimension_numbers<[1], [0], [0], [1], [0, 0, 1, 1], [], []>, transpose_lhs_hint = false} : vector<2000x128xf32>, vector<128x32xf32>, vector<2000x32xf32> -> vector<2000x32xf32>
    %swap3A = arith.constant 0 : index
    %swap3A_6 = arith.constant 0 : index
    %swap3A_7 = vector.load %arg3[%swap3A, %swap3A_6] : memref<2000x32xf32, #tpu.memory_space<vmem>>, vector<2000x32xf32>
    tpu.vector_store %arg3[%swap3A, %swap3A_6], %dot_general3A_5 {strides = array<i32>} : memref<2000x32xf32, #tpu.memory_space<vmem>>, vector<2000x32xf32>,
    return
  }
  func.func @transform_0(%arg0: i32) -> (i32, i32) {
    %c0_i32 = arith.constant 0 : i32
    %c0_i32_0 = arith.constant 0 : i32
    return %arg0, %c0_i32 : i32, i32
  }
  func.func @transform_1(%arg0: i32) -> (i32, i32) {
    %c0_i32 = arith.constant 0 : i32
    %c0_i32_0 = arith.constant 0 : i32
    %c0_i32_1 = arith.constant 0 : i32
    return %c0_i32, %c0_i32_0 : i32, i32
  }
  func.func @transform_2(%arg0: i32) -> (i32, i32) {
    %c0_i32 = arith.constant 0 : i32
    %c0_i32_0 = arith.constant 0 : i32
    return %arg0, %c0_i32 : i32, i32
  }
}

module attributes {stable_mosaic.version = 14 : i64} {
  func.func @_t3_body(%arg0: i32, %arg1: memref<2x2000x64xf32, #tpu.memory_space<vmem>>, %arg2: memref<16x32xf32, #tpu.memory_space<vmem>>, %arg3: memref<16x32xf32, #tpu.memory_space<vmem>>, %arg4: memref<32x32xf32, #tpu.memory_space<vmem>>, %arg5: memref<32x32xf32, #tpu.memory_space<vmem>>, %arg6: memref<2000x32xf32, #tpu.memory_space<vmem>>, %arg7: memref<3x2000x32xf32, #tpu.memory_space<vmem>>) attributes {dimension_semantics = [#tpu.dimension_semantics<arbitrary>], iteration_bounds = array<i64: 5>, scalar_prefetch = 0 : i64, scratch_operands = 0 : i64, tpu.core_type = #tpu.core_type<tc>, window_params = [{transform_indices = @transform_0, window_bounds = array<i64: 2, 2000, 64>}, {pipeline_mode = #tpu.pipeline_mode<synchronous>, transform_indices = @transform_1, window_bounds = array<i64: 16, 32>}, {pipeline_mode = #tpu.pipeline_mode<synchronous>, transform_indices = @transform_2, window_bounds = array<i64: 16, 32>}, {pipeline_mode = #tpu.pipeline_mode<synchronous>, transform_indices = @transform_3, window_bounds = array<i64: 32, 32>}, {pipeline_mode = #tpu.pipeline_mode<synchronous>, transform_indices = @transform_4, window_bounds = array<i64: 32, 32>}, {transform_indices = @transform_5, window_bounds = array<i64: 2000, 32>}, {transform_indices = @transform_6, window_bounds = array<i64: 3, 2000, 32>}]} {
    %get3A = arith.constant 0 : index
    %get3A_0 = arith.constant 0 : index
    %get3A_1 = arith.constant 0 : index
    %get3A_2 = vector.load %arg1[%get3A, %get3A_0, %get3A_1] : memref<2x2000x64xf32, #tpu.memory_space<vmem>>, vector<1x2000x64xf32>
    %get3A_3 = vector.shape_cast %get3A_2 : vector<1x2000x64xf32> to vector<2000x64xf32>
    %get3A_4 = arith.constant 1 : index
    %get3A_5 = arith.constant 0 : index
    %get3A_6 = arith.constant 0 : index
    %get3A_7 = vector.load %arg1[%get3A_4, %get3A_5, %get3A_6] : memref<2x2000x64xf32, #tpu.memory_space<vmem>>, vector<1x2000x64xf32>
    %get3A_8 = vector.shape_cast %get3A_7 : vector<1x2000x64xf32> to vector<2000x64xf32>
    %add3A = arith.addf %get3A_3, %get3A_8 : vector<2000x64xf32>
    %slice3A = vector.extract_strided_slice %add3A {offsets = [0, 0], sizes = [2000, 16], strides = [1, 1]} : vector<2000x64xf32> to vector<2000x16xf32>
    %get3A_9 = arith.constant 0 : index
    %get3A_10 = arith.constant 0 : index
    %get3A_11 = vector.load %arg2[%get3A_9, %get3A_10] : memref<16x32xf32, #tpu.memory_space<vmem>>, vector<16x32xf32>
    %dot_general3A = arith.constant dense<0.000000e+00> : vector<2000x32xf32>
    %dot_general3A_12 = tpu.matmul %slice3A, %get3A_11, %dot_general3A {dimension_numbers = #tpu.dot_dimension_numbers<[1], [0], [0], [1], [0, 0, 1, 1], [], []>, transpose_lhs_hint = false} : vector<2000x16xf32>, vector<16x32xf32>, vector<2000x32xf32> -> vector<2000x32xf32>
    %neg3A = arith.constant 0.000000e+00 : f32
    %neg3A_13 = vector.broadcast %neg3A : f32 to vector<2000x32xf32>
    %neg3A_14 = arith.subf %neg3A_13, %dot_general3A_12 : vector<2000x32xf32>
    %exp3A = math.exp %neg3A_14 : vector<2000x32xf32>
    %add3A_15 = arith.constant 1.000000e+00 : f32
    %add3A_16 = vector.broadcast %add3A_15 : f32 to vector<2000x32xf32>
    %add3A_17 = arith.addf %add3A_16, %exp3A : vector<2000x32xf32>
    %div3A = arith.constant 1.000000e+00 : f32
    %div3A_18 = vector.broadcast %div3A : f32 to vector<2000x32xf32>
    %div3A_19 = arith.divf %div3A_18, %add3A_17 : vector<2000x32xf32>
    %mul3A = arith.mulf %dot_general3A_12, %div3A_19 : vector<2000x32xf32>
    %get3A_20 = arith.constant 0 : index
    %get3A_21 = arith.constant 0 : index
    %get3A_22 = vector.load %arg4[%get3A_20, %get3A_21] : memref<32x32xf32, #tpu.memory_space<vmem>>, vector<32x32xf32>
    %dot_general3A_23 = arith.constant dense<0.000000e+00> : vector<2000x32xf32>
    %dot_general3A_24 = tpu.matmul %mul3A, %get3A_22, %dot_general3A_23 {dimension_numbers = #tpu.dot_dimension_numbers<[1], [0], [0], [1], [0, 0, 1, 1], [], []>, transpose_lhs_hint = false} : vector<2000x32xf32>, vector<32x32xf32>, vector<2000x32xf32> -> vector<2000x32xf32>
    %swap3A = arith.constant 0 : index
    %swap3A_25 = arith.constant 0 : index
    %swap3A_26 = vector.load %arg6[%swap3A, %swap3A_25] : memref<2000x32xf32, #tpu.memory_space<vmem>>, vector<2000x32xf32>
    tpu.vector_store %arg6[%swap3A, %swap3A_25], %dot_general3A_24 {strides = array<i32>} : memref<2000x32xf32, #tpu.memory_space<vmem>>, vector<2000x32xf32>,
    %get3A_27 = arith.constant 0 : index
    %get3A_28 = arith.constant 0 : index
    %get3A_29 = vector.load %arg3[%get3A_27, %get3A_28] : memref<16x32xf32, #tpu.memory_space<vmem>>, vector<16x32xf32>
    %get3A_30 = arith.constant 0 : index
    %get3A_31 = arith.constant 0 : index
    %get3A_32 = vector.load %arg5[%get3A_30, %get3A_31] : memref<32x32xf32, #tpu.memory_space<vmem>>, vector<32x32xf32>
    %slice3A_33 = vector.extract_strided_slice %add3A {offsets = [0, 16], sizes = [2000, 16], strides = [1, 1]} : vector<2000x64xf32> to vector<2000x16xf32>
    %dot_general3A_34 = arith.constant dense<0.000000e+00> : vector<2000x32xf32>
    %dot_general3A_35 = tpu.matmul %slice3A_33, %get3A_29, %dot_general3A_34 {dimension_numbers = #tpu.dot_dimension_numbers<[1], [0], [0], [1], [0, 0, 1, 1], [], []>, transpose_lhs_hint = false} : vector<2000x16xf32>, vector<16x32xf32>, vector<2000x32xf32> -> vector<2000x32xf32>
    %dot_general3A_36 = arith.constant dense<0.000000e+00> : vector<2000x32xf32>
    %dot_general3A_37 = tpu.matmul %dot_general3A_35, %get3A_32, %dot_general3A_36 {dimension_numbers = #tpu.dot_dimension_numbers<[1], [0], [0], [1], [0, 0, 1, 1], [], []>, transpose_lhs_hint = false} : vector<2000x32xf32>, vector<32x32xf32>, vector<2000x32xf32> -> vector<2000x32xf32>
    %swap3A_38 = arith.constant 0 : index
    %swap3A_39 = arith.constant 0 : index
    %swap3A_40 = arith.constant 0 : index
    %swap3A_41 = vector.load %arg7[%swap3A_38, %swap3A_39, %swap3A_40] : memref<3x2000x32xf32, #tpu.memory_space<vmem>>, vector<1x2000x32xf32>
    %swap3A_42 = vector.shape_cast %swap3A_41 : vector<1x2000x32xf32> to vector<2000x32xf32>
    %swap3A_43 = vector.shape_cast %dot_general3A_37 : vector<2000x32xf32> to vector<1x2000x32xf32>
    tpu.vector_store %arg7[%swap3A_38, %swap3A_39, %swap3A_40], %swap3A_43 {strides = array<i32>} : memref<3x2000x32xf32, #tpu.memory_space<vmem>>, vector<1x2000x32xf32>,
    %slice3A_44 = vector.extract_strided_slice %add3A {offsets = [0, 32], sizes = [2000, 16], strides = [1, 1]} : vector<2000x64xf32> to vector<2000x16xf32>
    %dot_general3A_45 = arith.constant dense<0.000000e+00> : vector<2000x32xf32>
    %dot_general3A_46 = tpu.matmul %slice3A_44, %get3A_29, %dot_general3A_45 {dimension_numbers = #tpu.dot_dimension_numbers<[1], [0], [0], [1], [0, 0, 1, 1], [], []>, transpose_lhs_hint = false} : vector<2000x16xf32>, vector<16x32xf32>, vector<2000x32xf32> -> vector<2000x32xf32>
    %dot_general3A_47 = arith.constant dense<0.000000e+00> : vector<2000x32xf32>
    %dot_general3A_48 = tpu.matmul %dot_general3A_46, %get3A_32, %dot_general3A_47 {dimension_numbers = #tpu.dot_dimension_numbers<[1], [0], [0], [1], [0, 0, 1, 1], [], []>, transpose_lhs_hint = false} : vector<2000x32xf32>, vector<32x32xf32>, vector<2000x32xf32> -> vector<2000x32xf32>
    %swap3A_49 = arith.constant 1 : index
    %swap3A_50 = arith.constant 0 : index
    %swap3A_51 = arith.constant 0 : index
    %swap3A_52 = vector.load %arg7[%swap3A_49, %swap3A_50, %swap3A_51] : memref<3x2000x32xf32, #tpu.memory_space<vmem>>, vector<1x2000x32xf32>
    %swap3A_53 = vector.shape_cast %swap3A_52 : vector<1x2000x32xf32> to vector<2000x32xf32>
    %swap3A_54 = vector.shape_cast %dot_general3A_48 : vector<2000x32xf32> to vector<1x2000x32xf32>
    tpu.vector_store %arg7[%swap3A_49, %swap3A_50, %swap3A_51], %swap3A_54 {strides = array<i32>} : memref<3x2000x32xf32, #tpu.memory_space<vmem>>, vector<1x2000x32xf32>,
    %slice3A_55 = vector.extract_strided_slice %add3A {offsets = [0, 48], sizes = [2000, 16], strides = [1, 1]} : vector<2000x64xf32> to vector<2000x16xf32>
    %dot_general3A_56 = arith.constant dense<0.000000e+00> : vector<2000x32xf32>
    %dot_general3A_57 = tpu.matmul %slice3A_55, %get3A_29, %dot_general3A_56 {dimension_numbers = #tpu.dot_dimension_numbers<[1], [0], [0], [1], [0, 0, 1, 1], [], []>, transpose_lhs_hint = false} : vector<2000x16xf32>, vector<16x32xf32>, vector<2000x32xf32> -> vector<2000x32xf32>
    %dot_general3A_58 = arith.constant dense<0.000000e+00> : vector<2000x32xf32>
    %dot_general3A_59 = tpu.matmul %dot_general3A_57, %get3A_32, %dot_general3A_58 {dimension_numbers = #tpu.dot_dimension_numbers<[1], [0], [0], [1], [0, 0, 1, 1], [], []>, transpose_lhs_hint = false} : vector<2000x32xf32>, vector<32x32xf32>, vector<2000x32xf32> -> vector<2000x32xf32>
    %swap3A_60 = arith.constant 2 : index
    %swap3A_61 = arith.constant 0 : index
    %swap3A_62 = arith.constant 0 : index
    %swap3A_63 = vector.load %arg7[%swap3A_60, %swap3A_61, %swap3A_62] : memref<3x2000x32xf32, #tpu.memory_space<vmem>>, vector<1x2000x32xf32>
    %swap3A_64 = vector.shape_cast %swap3A_63 : vector<1x2000x32xf32> to vector<2000x32xf32>
    %swap3A_65 = vector.shape_cast %dot_general3A_59 : vector<2000x32xf32> to vector<1x2000x32xf32>
    tpu.vector_store %arg7[%swap3A_60, %swap3A_61, %swap3A_62], %swap3A_65 {strides = array<i32>} : memref<3x2000x32xf32, #tpu.memory_space<vmem>>, vector<1x2000x32xf32>,
    return
  }
  func.func @transform_0(%arg0: i32) -> (i32, i32, i32) {
    %c0_i32 = arith.constant 0 : i32
    %c0_i32_0 = arith.constant 0 : i32
    %c0_i32_1 = arith.constant 0 : i32
    return %c0_i32, %arg0, %c0_i32_0 : i32, i32, i32
  }
  func.func @transform_1(%arg0: i32) -> (i32, i32) {
    %c0_i32 = arith.constant 0 : i32
    %c0_i32_0 = arith.constant 0 : i32
    %c0_i32_1 = arith.constant 0 : i32
    return %c0_i32, %c0_i32_0 : i32, i32
  }
  func.func @transform_2(%arg0: i32) -> (i32, i32) {
    %c0_i32 = arith.constant 0 : i32
    %c0_i32_0 = arith.constant 0 : i32
    %c0_i32_1 = arith.constant 0 : i32
    return %c0_i32, %c0_i32_0 : i32, i32
  }
  func.func @transform_3(%arg0: i32) -> (i32, i32) {
    %c0_i32 = arith.constant 0 : i32
    %c0_i32_0 = arith.constant 0 : i32
    %c0_i32_1 = arith.constant 0 : i32
    return %c0_i32, %c0_i32_0 : i32, i32
  }
  func.func @transform_4(%arg0: i32) -> (i32, i32) {
    %c0_i32 = arith.constant 0 : i32
    %c0_i32_0 = arith.constant 0 : i32
    %c0_i32_1 = arith.constant 0 : i32
    return %c0_i32, %c0_i32_0 : i32, i32
  }
  func.func @transform_5(%arg0: i32) -> (i32, i32) {
    %c0_i32 = arith.constant 0 : i32
    %c0_i32_0 = arith.constant 0 : i32
    return %arg0, %c0_i32 : i32, i32
  }
  func.func @transform_6(%arg0: i32) -> (i32, i32, i32) {
    %c0_i32 = arith.constant 0 : i32
    %c0_i32_0 = arith.constant 0 : i32
    %c0_i32_1 = arith.constant 0 : i32
    return %c0_i32, %arg0, %c0_i32_0 : i32, i32, i32
  }
}

</mosaic_0001>

<sc_bundles>
// kernel: kernel.6.cloned.1.call-start
scs
__scs_entry_jumppad:
0x0: {  	(pc) =	sbr.rel $0x88, $3  }
0x1: {  	(tag) =	ssettag $0x0;
	lr =	simm.s32 $0x1  }
0x2: {  	[smem:$0x3F91] =	sst lr;
	_ =	strace $0xD0000000  }
0x3: {  	_ = 	snop  }
0x4: {  	_ = 	snop  }
0x5: {  	_ = 	snop  }
0x6: {  	_ = 	snop  }
0x7: {  	_ = 	snop  }
__scs_overlays_trampoline_lowered:
0x8: {  	[smem:$0x3FA0] =	sst s0  }
0x9: {  	[smem:$0x3FA1] =	sst s1  }
0xa: {  	[smem:$0x3FA2] =	sst s2  }
0xb: {  	[smem:$0x3FA3] =	sst s3  }
0xc: {  	[smem:$0x3FA4] =	sst s4  }
0xd: {  	[smem:$0x3FA5] =	sst s5  }
0xe: {  	[smem:$0x3FA6] =	sst s6  }
0xf: {  	[smem:$0x3FA7] =	sst s7  }
0x10: {  	[smem:$0x3FA8] =	sst s8  }
0x11: {  	[smem:$0x3FA9] =	sst s9;
	s0 =	simm.s32 @!p0 $0x0  }
0x12: {  	s1 =	sld [smem:$0x3F8F];
	s0 =	simm.s32 @p0 $0x1  }
0x13: {  	[smem:$0x3FAA] =	sst s0;
	s0 =	simm.s32 @!p1 $0x0  }
0x14: {  	s2 =	sld [smem:$0x3F8E];
	s0 =	simm.s32 @p1 $0x1  }
0x15: {  	[smem:$0x3FAB] =	sst s0;
	s0 =	simm.s32 @!p2 $0x0  }
0x16: {  	s3 =	sld [smem:$0x3FDB];
	s0 =	simm.s32 @p2 $0x1  }
0x17: {  	s4 =	simm.s32 $0x1BF5;
	[smem:$0x3FAD] =	sst s0  }
0x18: {  	s0 =	sld [smem:$0x3F90];
	_ =	swait.ge [sflag:s4], $0x0  }
0x19: {  	s7 =	sld [smem:$0x3F91]  }
0x1a: {  	s8 =	sadd.s32 $0xFFFFE003, lr  }
0x1b: {  	s9 =	sadd.s32 $0xFFFFFEF7, lr;
	s5 =	simm.s32 $0xFFFFFFFF;
	p2 =	slt.u32 s8, $0xFFFFF086  }
0x1c: {  	p1 =	slt.u32 s9, $0xF7A;
	s5 =	simm.s32 @!p2 $0x0  }
0x1d: {  	s5 =	simm.s32 @p1 $0x1;
	p0 =	seq.s32 s7, s2  }
0x1e: {  	s7 =	smul.u32 @!p0 $0xF7A, s2;
	p2 =	seq.s32 @!p0 s5, $0x0  }
0x1f: {  	s9 =	smul.u32 $0xF7A, s1;
	s8 =	simm.s32 @!p0 $0x1BF5;
	p2 =	por !p2, p0  }
0x20: {  	[sflag:s8] =	ssyncset.s32 @!p0 $0xFFFFF086;
	s6 =	sadd.s32 @!p0 s3, s7;
	s7 =	simm.s32 @!p0 $0x108  }
0x21: {  	s3 =	sadd.s32 s3, s9;
	s6 =	sadd.s32 @!p0 $0x88, s6;
	s7 =	simm.s32 @p2 $0x1082  }
0x22: {  	[simem:s7], [sflag:s8] =	dma.local @!p0 [hbm:s6], $0xF7A  }
0x23: {  	s9 =	sor.u32 $0xD0000000, s2;
	s6 =	simm.s32 $0x108;
	_ =	swait.ge @!p0 [sflag:s8], $0x0  }
0x24: {  	s3 =	sadd.s32 $0x88, s3;
	s6 =	simm.s32 @!p1 $0x1082;
	[sflag:s4] =	ssyncset.s32 $0xFFFFF086  }
0x25: {  	[simem:s6], [sflag:s4] =	dma.local [hbm:s3], $0xF7A  }
0x26: {  	[smem:$0x3F91] =	sst s1;
	(tag) =	ssettag s2;
	_ =	strace s9  }
0x27: {  	s1 =	sld [smem:$0x3FA1]  }
0x28: {  	s2 =	sld [smem:$0x3FA2]  }
0x29: {  	s4 =	sld [smem:$0x3FA4]  }
0x2a: {  	p0 =	seq.s32 s5, $0x0;
	s5 =	sld [smem:$0x3FA5]  }
0x2b: {  	s6 =	sld [smem:$0x3FA6]  }
0x2c: {  	s7 =	sld [smem:$0x3FA7]  }
0x2d: {  	s3 =	simm.s32 $0x108;
	s8 =	sld [smem:$0x3FA8]  }
0x2e: {  	s3 =	simm.s32 @!p0 $0x1082;
	s9 =	sld [smem:$0x3FA9]  }
0x2f: {  	lr =	sadd.s32 s0, s3;
	s0 =	sld [smem:$0x3FA0]  }
0x30: {  	s3 =	sld [smem:$0x3FA3]  }
0x31: {  	[smem:$0x3FAC] =	sst s10  }
0x32: {  	s10 =	sld [smem:$0x3FAA];
	_ =	sdelay $0x3  }
0x33: {  	p0 =	seq.s32 s10, $0x1;
	s10 =	sld [smem:$0x3FAC];
	_ =	sdelay $0x3  }
0x34: {  	[smem:$0x3FAC] =	sst s10  }
0x35: {  	s10 =	sld [smem:$0x3FAB];
	_ =	sdelay $0x3  }
0x36: {  	p1 =	seq.s32 s10, $0x1;
	s10 =	sld [smem:$0x3FAC];
	_ =	sdelay $0x3  }
0x37: {  	[smem:$0x3FAC] =	sst s10  }
0x38: {  	s10 =	sld [smem:$0x3FAD]  }
0x39: {  	_ = 	snop;
	(pc) =	sbr.ind lr, $3  }
0x3a: {  	_ = 	snop  }
0x3b: {  	_ = 	snop  }
0x3c: {  	p2 =	seq.s32 s10, $0x1;
	s10 =	sld [smem:$0x3FAC]  }
0x3d: {  	_ =	shalt  }
0x3e: {  	_ =	shalt  }
0x3f: {  	_ =	shalt  }
0x40: {  	_ =	shalt  }
0x41: {  	_ =	shalt  }
0x42: {  	_ =	shalt  }
0x43: {  	_ =	shalt  }
0x44: {  	_ =	shalt  }
0x45: {  	_ =	shalt  }
0x46: {  	_ =	shalt  }
0x47: {  	_ =	shalt  }
0x48: {  	_ =	shalt  }
0x49: {  	_ =	shalt  }
0x4a: {  	_ =	shalt  }
0x4b: {  	_ =	shalt  }
0x4c: {  	_ =	shalt  }
0x4d: {  	_ =	shalt  }
0x4e: {  	_ =	shalt  }
0x4f: {  	_ =	shalt  }
0x50: {  	_ =	shalt  }
0x51: {  	_ =	shalt  }
0x52: {  	_ =	shalt  }
0x53: {  	_ =	shalt  }
0x54: {  	_ =	shalt  }
0x55: {  	_ =	shalt  }
0x56: {  	_ =	shalt  }
0x57: {  	_ =	shalt  }
0x58: {  	_ =	shalt  }
0x59: {  	_ =	shalt  }
0x5a: {  	_ =	shalt  }
0x5b: {  	_ =	shalt  }
0x5c: {  	_ =	shalt  }
0x5d: {  	_ =	shalt  }
0x5e: {  	_ =	shalt  }
0x5f: {  	_ =	shalt  }
0x60: {  	_ =	shalt  }
0x61: {  	_ =	shalt  }
0x62: {  	_ =	shalt  }
0x63: {  	_ =	shalt  }
0x64: {  	_ =	shalt  }
0x65: {  	_ =	shalt  }
0x66: {  	_ =	shalt  }
0x67: {  	_ =	shalt  }
0x68: {  	_ =	shalt  }
0x69: {  	_ =	shalt  }
0x6a: {  	_ =	shalt  }
0x6b: {  	_ =	shalt  }
0x6c: {  	_ =	shalt  }
0x6d: {  	_ =	shalt  }
0x6e: {  	_ =	shalt  }
0x6f: {  	_ =	shalt  }
0x70: {  	_ =	shalt  }
0x71: {  	_ =	shalt  }
0x72: {  	_ =	shalt  }
0x73: {  	_ =	shalt  }
0x74: {  	_ =	shalt  }
0x75: {  	_ =	shalt  }
0x76: {  	_ =	shalt  }
0x77: {  	_ =	shalt  }
0x78: {  	_ =	shalt  }
0x79: {  	_ =	shalt  }
0x7a: {  	_ =	shalt  }
0x7b: {  	_ =	shalt  }
0x7c: {  	_ =	shalt  }
0x7d: {  	_ =	shalt  }
0x7e: {  	_ =	shalt  }
0x7f: {  	_ =	shalt  }
0x80: {  	_ =	shalt  }
0x81: {  	_ =	shalt  }
0x82: {  	_ =	shalt  }
0x83: {  	_ =	shalt  }
0x84: {  	_ =	shalt  }
0x85: {  	_ =	shalt  }
0x86: {  	_ =	shalt  }
0x87: {  	_ =	shalt  }
.Lfunc_end0:
.L_simem_size_0:
called_computation_lowered:
.L_overlay_start_0:
0x88: {  	s2 =	sld [smem:$0x3FD9]  }
0x89: {  	s3 =	sld [smem:$0x3FFE];
	_ =	sdelay $0x1  }
0x8a: {  	s1 =	srdreg.scid  }
0x8b: {  	s0 =	sand.u32 $0x1, s1  }
0x8c: {  	s17 =	sshll.u32 s0, $0xA;
	s2 =	sadd.s32 s3, s2  }
0x8d: {  	s2 =	sadd.s32 s2, s17  }
0x8e: {  	[smem:$0x3FB8] =	sst s2  }
0x8f: {  	_ = 	snop  }
0x90: {  	s2 =	sld [smem:$0x3FC8]  }
0x91: {  	s18 =	sld [smem:$0x3FC7]  }
0x92: {  	s4 =	sld [smem:$0x3FD0];
	(tm) =	ssettm $0x1  }
0x93: {  	s5 =	sld [smem:$0x3FFB];
	_ =	sdelay $0x3  }
0x94: {  	_ =	strace s5  }
0x95: {  	s5 =	sld [smem:$0x3FFC];
	_ =	sdelay $0x3  }
0x96: {  	_ =	strace s5  }
0x97: {  	s5 =	sld [smem:$0x3FFD];
	_ =	sdelay $0x3  }
0x98: {  	_ =	strace s5  }
0x99: {  	_ =	strace $0x8FFFFFFF  }
0x9a: {  	s19 =	sld [smem:$0x3FDB];
	_ =	sdelay $0x1  }
0x9b: {  	s6 =	simm.s32 $_scs_section_size  }
0x9c: {  	s7 =	simm.s32 $_size__tile_overlayer_lowered;
	s8 =	simm.s32 $_tile_overlayer_lowered  }
0x9d: {  	s22 =	simm.s32 $0x1BFF;
	s21 =	sshll.u32 s8, $0x1;
	s5 =	sadd.s32 s6, s19  }
0x9e: {  	s9 =	simm.s32 $0x0;
	s20 =	sshll.u32 s7, $0x1;
	s7 =	sadd.s32 s21, s5  }
0x9f: {  	[timem:s9], [sflag:s22] =	dma.local [hbm:s7], s20  }
0xa0: {  	_ =	swait.ge [sflag:s22], s20  }
0xa1: {  	s6 =	ssub.s32 $0x0, s20;
	[sflag:s22] =	ssyncset.done $0x0  }
0xa2: {  	[sflag:s22] =	ssyncadd.s32 s6;
	_ =	sdelay $0x1  }
0xa3: {  	s23 =	simm.s32 $0x1B8B  }
0xa4: {  	_ =	swait.ge [sflag:s23], $0x1  }
0xa5: {  	[sflag:s23] =	ssyncset.done $0x0  }
0xa6: {  	s25 =	simm.s32 $0x1B8E;
	s24 =	sld [smem:$0x3FFE];
	[sflag:s23] =	ssyncadd.s32 $0xFFFFFFFF  }
0xa7: {  	s26 =	simm.s32 $execute0_lowered;
	[smem:$0x3FD2] =	sst s25  }
0xa8: {  	s7 =	sshll.u32 s26, $0x1;
	_ =	strace $0x80000046;
	[dreg:$0x1] =	wrdreg $0xFFFFFFFF  }
0xa9: {  	s28 =	simm.s32 $_size_execute0_lowered;
	s5 =	sadd.s32 s5, s7;
	[dreg:$0x0] =	wrdreg $0x0  }
0xaa: {  	s7 =	sshll.u32 s28, $0x1;
	[dreg:$0x2] =	wrdreg s5  }
0xab: {  	[dreg:$0x3] =	wrdreg s7  }
0xac: {  	[dreg:$0x4] =	wrdreg $0xC0  }
0xad: {  	_ =	task [dreg:s9], $0x5FFFF  }
0xae: {  	[dreg:$0x1] =	wrdreg $0xFFFFFFFF  }
0xaf: {  	[dreg:$0x0] =	wrdreg $0x60  }
0xb0: {  	[dreg:$0x2] =	wrdreg s24  }
0xb1: {  	[dreg:$0x3] =	wrdreg s18  }
0xb2: {  	[dreg:$0x4] =	wrdreg s2  }
0xb3: {  	[dreg:$0x5] =	wrdreg s4  }
0xb4: {  	[dreg:$0x6] =	wrdreg $0xE1000  }
0xb5: {  	[dreg:$0x7] =	wrdreg $0x9  }
0xb6: {  	_ =	task.clear_ibuf [dreg:s9], $0x8FFFF;
	_ =	strace $0x90000046  }
0xb7: {  	s29 =	simm.s32 $0x9;
	_ =	strace $0x80000048  }
0xb8: {  	_ =	swait.ge [sflag:s29], $0x1  }
0xb9: {  	[sflag:s29] =	ssyncadd.s32 $0xFFFFFFFF  }
0xba: {  	_ =	strace $0x90000048  }
0xbb: {  	_ =	sfence  }
0xbc: {  	s30 =	sld [smem:$0x0];
	_ =	sdelay $0x2  }
0xbd: {  	s31 =	sshll.u32 s1, $0xD;
	s1 =	sshrl.u32 s1, $0x2  }
0xbe: {  	s3 =	sand.u32 $0x4000, s31;
	s1 =	sadd.s32 s1, s30  }
0xbf: {  	s0 =	sor.u32 s3, s0;
	s1 =	sshll.u32 s1, $0x11  }
0xc0: {  	s0 =	sor.u32 s1, s0  }
0xc1: {  	s0 =	sadd.s32 $0x8F2B, s0  }
0xc2: {  	[sflag:s0] =	ssyncadd.remote.s32 $0x1  }
0xc3: {  	_ =	sfence.sel $0xFFFF  }
0xc4: {  	[dreg:$0x0] =	wrdreg $0xFFFFFFFF;
	(pc) =	sbr.abs _section_cstart, $3  }
0xc5: {  	[dreg:$0x1] =	wrdreg $0xFFFFFFFF  }
0xc6: {  	_ =	task.clear_ibuf [dreg:s9], $0x2FFFF;
	_ =	strace $0x9FFFFFFF  }
0xc7: {  	(tm) =	ssettm $0x7FFFFFFF  }
tec
execute0_lowered:
.L_overlay_start_1:
0x0: {  	(tag) =	ssettag $0x1  }
0x1: {  	s8 =	rddreg [dreg:$0x0]  }
0x2: {  	s1 =	rddreg [dreg:$0x1]  }
0x3: {  	s2 =	rddreg [dreg:$0x2]  }
0x4: {  	s13 =	rddreg [dreg:$0x3]  }
0x5: {  	s3 =	rddreg [dreg:$0x4]  }
0x6: {  	s0 =	rddreg [dreg:$0x5];
	s4 =	simm.s32 $0x0  }
0x7: {  	s7 =	srdreg.scid;
	s18 =	simm.s32 $0x80;
	s19 =	simm.s32 $0x100  }
0x8: {  	s20 =	simm.s32 $0x1100;
	s21 =	simm.s32 $0x2100;
	s22 =	simm.s32 $0x1  }
0x9: {  	s23 =	simm.s32 $0x2500;
	[smem:$0x7FF] =	sst s4;
	s5 =	sadd.s32 $0x189200, s8  }
0xa: {  	s6 =	sadd.s32 $0x13B000, s8;
	s10 =	sand.u32 $0x1, s7;
	s7 =	stileid.u32  }
0xb: {  	s8 =	sadd.s32 $0x2800, s8;
	_ =	strace $0x80000047;
	s15 =	smul.u32 $0x9C00, s7  }
0xc: {  	s9 =	ssub.s32 $0x2, s10;
	s11 =	sshll.u32 s10, $0x4;
	s17 =	smul.u32 $0x9C400, s10  }
0xd: {  	s10 =	sadd.s32 $0x9C000, s3;
	s12 =	sshrl.u32 s9, $0x1;
	s14 =	sor.u32 s7, s11  }
0xe: {  	s16 =	ssub.s32 s9, s12;
	s11 =	smul.u32 $0x4E, s14;
	s9 =	sadd.s32 s15, s3  }
0xf: {  	s29 =	smin.u32 s14, $0x4;
	p0 =	slt.u32 s14, $0x4;
	s12 =	simm.s32 $0x4F  }
0x10: {  	s30 =	sadd.s32 s15, s17;
	s31 =	sshrl.u32 s17, $0x3;
	s17 =	simm.s32 $0x2  }
0x11: {  	s12 =	simm.s32 @!p0 $0x4E;
	s14 =	sshrl.u32 s30, $0x3;
	s15 =	sadd.s32 s13, s31  }
0x12: {  	p0 =	sne.s32 s7, $0x0;
	s11 =	sadd.s32 s29, s11;
	s13 =	sadd.s32 s13, s14  }
0x13: {  	v0 =	vimm.f32 $0.0e+00;
	v1 =	vlaneseq.u32;
	s14 =	sadd.s32 $0x13800, s15;
	s15 =	smax.u32 s16, $0x1;
	s16 =	simm.s32 $0x4500  }
.LBB2_1:
0x14: {  	s25 =	simm.s32 $0x100;
	s24 =	simm.s32 $0x0  }
.LBB2_2:
0x15: {  	p1 =	sne.s32 s25, $0x26F00;
	[tilespmem:s24+$0x4530] =	vst v0;
	s26 =	smov.u32 s25;
	s25 =	sadd.s32 $0x100, s25  }
.Ltmp0:
0x16: {  	[tilespmem:s24+$0x4520] =	vst v0;
	(pc) =	sbr.rel @p1 .LBB2_2-.Ltmp0, $3  }
0x17: {  	[tilespmem:s24+$0x4500] =	vst v0  }
0x18: {  	[tilespmem:s24+$0x4510] =	vst v0;
	_ =	sdelay $0x1  }
0x19: {  	s24 =	sshra.s32 s26, $0x2  }
0x1a: {  	[tilespmem:s24+$0x4530] =	vst v0  }
0x1b: {  	[tilespmem:s24+$0x4520] =	vst v0  }
0x1c: {  	[tilespmem:s24+$0x4500] =	vst v0  }
0x1d: {  	[tilespmem:s24+$0x4510] =	vst v0  }
0x1e: {  	[spmem:s9] =	stream.linear.scatter [tilespmem:s16], [sflag:$0x2], $0x9C00, $0x38;
	[tilespmem:$0x17D40] =	vst v63  }
0x1f: {  	_ =	swait.ge [sflag:s17], $0x9C00  }
0x20: {  	[sflag:s17] =	ssyncset.done $0x0  }
0x21: {  	s24 =	simm.s32 @!p0 $0x4500;
	[sflag:s17] =	ssyncadd.s32 $0xFFFF6400  }
0x22: {  	[spmem:s10] =	stream.linear.scatter @!p0 [tilespmem:s24], [sflag:$0x2], $0x400, $0x38;
	[tilespmem:$0x17D40] =	vst v63  }
0x23: {  	s24 =	simm.s32 @!p0 $0x2  }
0x24: {  	_ =	swait.ge @!p0 [sflag:s24], $0x400  }
0x25: {  	[sflag:s24] =	ssyncset.done @!p0 $0x0  }
0x26: {  	[sflag:s24] =	ssyncadd.s32 @!p0 $0xFFFFFC00  }
0x27: {  	s25 =	simm.s32 $0x0;
	s24 =	simm.s32 $0x0;
	[bflag:$0x0] =	sbarrier.arrive $0xFFFF  }
.LBB2_4:
0x28: {  	s26 =	sadd.s32 s25, s11  }
0x29: {  	s28 =	sshll.u32 s26, $0x4  }
0x2a: {  	s28 =	sand.u32 $0x1FFFFFF0, s28  }
0x2b: {  	s29 =	sadd.s32 s1, s28  }
0x2c: {  	[tilespmem:s24], [sflag:$0x2] =	stream.linear.gather [hbm4b:s29+s24], $0x80, $0x38;
	[tilespmem:$0x17D40] =	vst v63  }
0x2d: {  	_ =	swait.ge [sflag:s17], $0x80  }
0x2e: {  	[sflag:s17] =	ssyncset.done $0x0  }
0x2f: {  	[sflag:s17] =	ssyncadd.s32 $0xFFFFFF80  }
0x30: {  	[tilespmem:s19], [sflag:$0x1] =	stream.indirect.gather [hbm4b:s5+s18], $0x20, s24, s18, $0xb8;
	[tilespmem:$0x17D40] =	vst v63  }
0x31: {  	s28 =	sadd.s32 s2, s28  }
0x32: {  	[tilespmem:s18], [sflag:$0x2] =	stream.linear.gather [hbm4b:s28+s24], $0x80, $0x38;
	[tilespmem:$0x17D40] =	vst v63  }
0x33: {  	s31 =	sshll.u32 s26, $0x9;
	_ =	swait.ge [sflag:s17], $0x80  }
0x34: {  	s28 =	sand.u32 $0x1FFFFE00, s31;
	[sflag:s17] =	ssyncset.done $0x0  }
0x35: {  	s28 =	sadd.s32 s8, s28;
	[sflag:s17] =	ssyncadd.s32 $0xFFFFFF80  }
0x36: {  	[tilespmem:s20], [sflag:$0x2] =	stream.linear.gather [hbm4b:s28+s24], $0x1000, $0x38;
	[tilespmem:$0x17D40] =	vst v63  }
0x37: {  	s26 =	sshll.u32 s26, $0x7;
	_ =	swait.ge [sflag:s17], $0x1000  }
0x38: {  	s26 =	sand.u32 $0x1FFFFF80, s26;
	[sflag:s17] =	ssyncset.done $0x0  }
0x39: {  	s26 =	sadd.s32 s6, s26;
	[sflag:s17] =	ssyncadd.s32 $0xFFFFF000  }
0x3a: {  	[tilespmem:s21], [sflag:$0x2] =	stream.linear.gather [hbm4b:s26+s24], $0x400, $0x38;
	[tilespmem:$0x17D40] =	vst v63  }
0x3b: {  	_ =	swait.ge [sflag:s17], $0x400  }
0x3c: {  	[sflag:s17] =	ssyncset.done $0x0  }
0x3d: {  	[sflag:s17] =	ssyncadd.s32 $0xFFFFFC00  }
0x3e: {  	_ =	swait.ge [sflag:s22], $0x1000  }
0x3f: {  	[sflag:s22] =	ssyncset.done $0x0  }
0x40: {  	s26 =	simm.s32 $0x0;
	[sflag:s22] =	ssyncadd.s32 $0xFFFFF000  }
.LBB2_5:
0x41: {  	v6 =	vor.u32 s26, v1  }
0x42: {  	v2 =	vshll.u32 v6, $0x3  }
0x43: {  	v7 =	vshll.u32 v6, $0x5  }
0x44: {  	v3 =	vor.u32 $0x1, v2  }
0x45: {  	v8 =	vor.u32 $0x2, v2  }
0x46: {  	v10 =	vor.u32 $0x8, v7  }
0x47: {  	v11 =	vor.u32 $0x10, v7;
	v5 =	vld.idx.msk [tilespmem:v2+s21+$0x0], $0xffff  }
0x48: {  	v9 =	vor.u32 $0x3, v2;
	v13 =	vld.idx.msk [tilespmem:v7+s19+$0x0], $0xffff  }
0x49: {  	v37 =	vor.u32 $0x18, v7;
	v4 =	vld.idx.msk [tilespmem:v3+s21+$0x0], $0xffff  }
0x4a: {  	v3 =	vld.idx.msk [tilespmem:v8+s21+$0x0], $0xffff  }
0x4b: {  	v38 =	vld.idx.msk [tilespmem:v10+s19+$0x0], $0xffff  }
0x4c: {  	v12 =	vld.idx.msk [tilespmem:v11+s19+$0x0], $0xffff  }
0x4d: {  	v2 =	vld.idx.msk [tilespmem:v9+s21+$0x0], $0xffff  }
0x4e: {  	v14 =	vld.idx.msk [tilespmem:v37+s19+$0x0], $0xffff  }
0x4f: {  	v15 =	vld.idx.msk [tilespmem:v7+s20+$0x0], $0xffff  }
0x50: {  	v10 =	vld.idx.msk [tilespmem:v10+s20+$0x0], $0xffff  }
0x51: {  	v11 =	vld.idx.msk [tilespmem:v11+s20+$0x0], $0xffff;
	v16 =	vmul.f32 v38, v4;
	v17 =	vmul.f32 v12, v3  }
0x52: {  	v8 =	vld.idx.msk [tilespmem:v37+s20+$0x0], $0xffff  }
0x53: {  	v6 =	vshll.u32 v6, $0x6;
	v39 =	vmul.f32 v14, v2;
	v16 =	vadd.f32 v17, v16  }
0x54: {  	v19 =	vor.u32 $0x8, v6;
	v18 =	vmul.f32 v13, v5  }
0x55: {  	v40 =	vor.u32 $0x10, v6;
	v16 =	vadd.f32 v39, v16  }
0x56: {  	v41 =	vor.u32 $0x18, v6;
	v11 =	vmul.f32 v11, v13;
	v15 =	vmul.f32 v15, v18  }
0x57: {  	v42 =	vor.u32 $0x20, v6;
	v8 =	vmul.f32 v8, v5;
	v10 =	vmul.f32 v10, v16  }
0x58: {  	v44 =	vor.u32 $0x28, v6;
	v43 =	vmul.f32 v11, v4;
	[tilespmem:v6+s23+$0x0] =	vst.idx.msk $0xffff, v15  }
0x59: {  	v45 =	vor.u32 $0x30, v6;
	v9 =	vmul.f32 v8, v38;
	[tilespmem:v19+s23+$0x0] =	vst.idx.msk $0xffff, v10  }
0x5a: {  	v47 =	vor.u32 $0x38, v6;
	v46 =	vmul.f32 v11, v3;
	[tilespmem:v40+s23+$0x0] =	vst.idx.msk $0xffff, v43  }
0x5b: {  	v49 =	vor.u32 $0x9, v7;
	v48 =	vmul.f32 v8, v12;
	[tilespmem:v41+s23+$0x0] =	vst.idx.msk $0xffff, v9  }
0x5c: {  	v50 =	vor.u32 $0x11, v7;
	v11 =	vmul.f32 v11, v2;
	[tilespmem:v42+s23+$0x0] =	vst.idx.msk $0xffff, v46  }
0x5d: {  	v51 =	vor.u32 $0x1, v7;
	v8 =	vmul.f32 v8, v14;
	[tilespmem:v44+s23+$0x0] =	vst.idx.msk $0xffff, v48  }
0x5e: {  	v52 =	vor.u32 $0x19, v7;
	[tilespmem:v45+s23+$0x0] =	vst.idx.msk $0xffff, v11  }
0x5f: {  	[tilespmem:v47+s23+$0x0] =	vst.idx.msk $0xffff, v8  }
0x60: {  	v8 =	vld.idx.msk [tilespmem:v49+s19+$0x0], $0xffff  }
0x61: {  	v11 =	vld.idx.msk [tilespmem:v50+s19+$0x0], $0xffff  }
0x62: {  	v53 =	vld.idx.msk [tilespmem:v51+s19+$0x0], $0xffff  }
0x63: {  	v15 =	vld.idx.msk [tilespmem:v52+s19+$0x0], $0xffff  }
0x64: {  	v9 =	vld.idx.msk [tilespmem:v51+s20+$0x0], $0xffff  }
0x65: {  	v12 =	vld.idx.msk [tilespmem:v49+s20+$0x0], $0xffff  }
0x66: {  	v13 =	vld.idx.msk [tilespmem:v50+s20+$0x0], $0xffff;
	v54 =	vmul.f32 v8, v4;
	v55 =	vmul.f32 v11, v3  }
0x67: {  	v10 =	vld.idx.msk [tilespmem:v52+s20+$0x0], $0xffff  }
0x68: {  	v56 =	vor.u32 $0x1, v6;
	v57 =	vmul.f32 v15, v2;
	v16 =	vadd.f32 v55, v54  }
0x69: {  	v20 =	vor.u32 $0x9, v6;
	v58 =	vmul.f32 v53, v5  }
0x6a: {  	v59 =	vor.u32 $0x11, v6;
	v16 =	vadd.f32 v57, v16  }
0x6b: {  	v60 =	vor.u32 $0x19, v6;
	v13 =	vmul.f32 v13, v53;
	v9 =	vmul.f32 v9, v58  }
0x6c: {  	v61 =	vor.u32 $0x21, v6;
	v10 =	vmul.f32 v10, v5;
	v12 =	vmul.f32 v12, v16  }
0x6d: {  	v63 =	vor.u32 $0x29, v6;
	v62 =	vmul.f32 v13, v4;
	[tilespmem:v56+s23+$0x0] =	vst.idx.msk $0xffff, v9  }
0x6e: {  	v8 =	vmul.f32 v10, v8;
	[tilespmem:v20+s23+$0x0] =	vst.idx.msk $0xffff, v12;
	v20 =	vor.u32 $0x31, v6  }
0x6f: {  	v22 =	vor.u32 $0x39, v6;
	v21 =	vmul.f32 v13, v3;
	[tilespmem:v59+s23+$0x0] =	vst.idx.msk $0xffff, v62  }
0x70: {  	v24 =	vor.u32 $0xA, v7;
	v23 =	vmul.f32 v10, v11;
	[tilespmem:v60+s23+$0x0] =	vst.idx.msk $0xffff, v8  }
0x71: {  	v26 =	vor.u32 $0x12, v7;
	v25 =	vmul.f32 v13, v2;
	[tilespmem:v61+s23+$0x0] =	vst.idx.msk $0xffff, v21  }
0x72: {  	v28 =	vor.u32 $0x2, v7;
	v27 =	vmul.f32 v10, v15;
	[tilespmem:v63+s23+$0x0] =	vst.idx.msk $0xffff, v23  }
0x73: {  	v29 =	vor.u32 $0x1A, v7;
	[tilespmem:v20+s23+$0x0] =	vst.idx.msk $0xffff, v25  }
0x74: {  	[tilespmem:v22+s23+$0x0] =	vst.idx.msk $0xffff, v27  }
0x75: {  	v8 =	vld.idx.msk [tilespmem:v24+s19+$0x0], $0xffff  }
0x76: {  	v12 =	vld.idx.msk [tilespmem:v26+s19+$0x0], $0xffff  }
0x77: {  	v14 =	vld.idx.msk [tilespmem:v28+s19+$0x0], $0xffff  }
0x78: {  	v30 =	vld.idx.msk [tilespmem:v29+s19+$0x0], $0xffff  }
0x79: {  	v10 =	vld.idx.msk [tilespmem:v28+s20+$0x0], $0xffff  }
0x7a: {  	v11 =	vld.idx.msk [tilespmem:v24+s20+$0x0], $0xffff  }
0x7b: {  	v13 =	vld.idx.msk [tilespmem:v26+s20+$0x0], $0xffff;
	v31 =	vmul.f32 v8, v4;
	v32 =	vmul.f32 v12, v3  }
0x7c: {  	v9 =	vld.idx.msk [tilespmem:v29+s20+$0x0], $0xffff  }
0x7d: {  	v33 =	vor.u32 $0x2, v6;
	v34 =	vmul.f32 v30, v2;
	v16 =	vadd.f32 v32, v31  }
0x7e: {  	v36 =	vor.u32 $0xA, v6;
	v35 =	vmul.f32 v14, v5  }
0x7f: {  	v37 =	vor.u32 $0x12, v6;
	v16 =	vadd.f32 v34, v16  }
0x80: {  	v38 =	vor.u32 $0x1A, v6;
	v13 =	vmul.f32 v13, v14;
	v10 =	vmul.f32 v10, v35  }
0x81: {  	v39 =	vor.u32 $0x22, v6;
	v9 =	vmul.f32 v9, v5;
	v11 =	vmul.f32 v11, v16  }
0x82: {  	v41 =	vor.u32 $0x2A, v6;
	v40 =	vmul.f32 v13, v4;
	[tilespmem:v33+s23+$0x0] =	vst.idx.msk $0xffff, v10  }
0x83: {  	v42 =	vor.u32 $0x32, v6;
	v8 =	vmul.f32 v9, v8;
	[tilespmem:v36+s23+$0x0] =	vst.idx.msk $0xffff, v11  }
0x84: {  	v44 =	vor.u32 $0x3A, v6;
	v43 =	vmul.f32 v13, v3;
	[tilespmem:v37+s23+$0x0] =	vst.idx.msk $0xffff, v40  }
0x85: {  	v46 =	vor.u32 $0xB, v7;
	v45 =	vmul.f32 v9, v12;
	[tilespmem:v38+s23+$0x0] =	vst.idx.msk $0xffff, v8  }
0x86: {  	v48 =	vor.u32 $0x13, v7;
	v47 =	vmul.f32 v13, v2;
	[tilespmem:v39+s23+$0x0] =	vst.idx.msk $0xffff, v43  }
0x87: {  	v50 =	vor.u32 $0x3, v7;
	v49 =	vmul.f32 v9, v30;
	[tilespmem:v41+s23+$0x0] =	vst.idx.msk $0xffff, v45  }
0x88: {  	v51 =	vor.u32 $0x1B, v7;
	[tilespmem:v42+s23+$0x0] =	vst.idx.msk $0xffff, v47  }
0x89: {  	[tilespmem:v44+s23+$0x0] =	vst.idx.msk $0xffff, v49  }
0x8a: {  	v8 =	vld.idx.msk [tilespmem:v46+s19+$0x0], $0xffff  }
0x8b: {  	v11 =	vld.idx.msk [tilespmem:v48+s19+$0x0], $0xffff  }
0x8c: {  	v14 =	vld.idx.msk [tilespmem:v50+s19+$0x0], $0xffff  }
0x8d: {  	v52 =	vld.idx.msk [tilespmem:v51+s19+$0x0], $0xffff  }
0x8e: {  	v9 =	vld.idx.msk [tilespmem:v50+s20+$0x0], $0xffff  }
0x8f: {  	v12 =	vld.idx.msk [tilespmem:v46+s20+$0x0], $0xffff  }
0x90: {  	v13 =	vld.idx.msk [tilespmem:v48+s20+$0x0], $0xffff;
	v53 =	vmul.f32 v8, v4;
	v54 =	vmul.f32 v11, v3  }
0x91: {  	v10 =	vld.idx.msk [tilespmem:v51+s20+$0x0], $0xffff  }
0x92: {  	v55 =	vor.u32 $0x3, v6;
	v56 =	vmul.f32 v52, v2;
	v16 =	vadd.f32 v54, v53  }
0x93: {  	v58 =	vor.u32 $0xB, v6;
	v57 =	vmul.f32 v14, v5  }
0x94: {  	v59 =	vor.u32 $0x13, v6;
	v16 =	vadd.f32 v56, v16  }
0x95: {  	v60 =	vor.u32 $0x1B, v6;
	v13 =	vmul.f32 v13, v14;
	v9 =	vmul.f32 v9, v57  }
0x96: {  	v61 =	vor.u32 $0x23, v6;
	v10 =	vmul.f32 v10, v5;
	v12 =	vmul.f32 v12, v16  }
0x97: {  	v63 =	vor.u32 $0x2B, v6;
	v62 =	vmul.f32 v13, v4;
	[tilespmem:v55+s23+$0x0] =	vst.idx.msk $0xffff, v9  }
0x98: {  	v20 =	vor.u32 $0x33, v6;
	v8 =	vmul.f32 v10, v8;
	[tilespmem:v58+s23+$0x0] =	vst.idx.msk $0xffff, v12  }
0x99: {  	v22 =	vor.u32 $0x3B, v6;
	v21 =	vmul.f32 v13, v3;
	[tilespmem:v59+s23+$0x0] =	vst.idx.msk $0xffff, v62  }
0x9a: {  	v24 =	vor.u32 $0xC, v7;
	v23 =	vmul.f32 v10, v11;
	[tilespmem:v60+s23+$0x0] =	vst.idx.msk $0xffff, v8  }
0x9b: {  	v26 =	vor.u32 $0x14, v7;
	v25 =	vmul.f32 v13, v2;
	[tilespmem:v61+s23+$0x0] =	vst.idx.msk $0xffff, v21  }
0x9c: {  	v28 =	vor.u32 $0x4, v7;
	v27 =	vmul.f32 v10, v52;
	[tilespmem:v63+s23+$0x0] =	vst.idx.msk $0xffff, v23  }
0x9d: {  	v29 =	vor.u32 $0x1C, v7;
	[tilespmem:v20+s23+$0x0] =	vst.idx.msk $0xffff, v25  }
0x9e: {  	[tilespmem:v22+s23+$0x0] =	vst.idx.msk $0xffff, v27  }
0x9f: {  	v8 =	vld.idx.msk [tilespmem:v24+s19+$0x0], $0xffff  }
0xa0: {  	v12 =	vld.idx.msk [tilespmem:v26+s19+$0x0], $0xffff  }
0xa1: {  	v14 =	vld.idx.msk [tilespmem:v28+s19+$0x0], $0xffff  }
0xa2: {  	v30 =	vld.idx.msk [tilespmem:v29+s19+$0x0], $0xffff  }
0xa3: {  	v10 =	vld.idx.msk [tilespmem:v28+s20+$0x0], $0xffff  }
0xa4: {  	v11 =	vld.idx.msk [tilespmem:v24+s20+$0x0], $0xffff  }
0xa5: {  	v13 =	vld.idx.msk [tilespmem:v26+s20+$0x0], $0xffff;
	v31 =	vmul.f32 v8, v4;
	v32 =	vmul.f32 v12, v3  }
0xa6: {  	v9 =	vld.idx.msk [tilespmem:v29+s20+$0x0], $0xffff  }
0xa7: {  	v33 =	vor.u32 $0x4, v6;
	v34 =	vmul.f32 v30, v2;
	v16 =	vadd.f32 v32, v31  }
0xa8: {  	v36 =	vor.u32 $0xC, v6;
	v35 =	vmul.f32 v14, v5  }
0xa9: {  	v37 =	vor.u32 $0x14, v6;
	v16 =	vadd.f32 v34, v16  }
0xaa: {  	v38 =	vor.u32 $0x1C, v6;
	v13 =	vmul.f32 v13, v14;
	v10 =	vmul.f32 v10, v35  }
0xab: {  	v39 =	vor.u32 $0x24, v6;
	v9 =	vmul.f32 v9, v5;
	v11 =	vmul.f32 v11, v16  }
0xac: {  	v41 =	vor.u32 $0x2C, v6;
	v40 =	vmul.f32 v13, v4;
	[tilespmem:v33+s23+$0x0] =	vst.idx.msk $0xffff, v10  }
0xad: {  	v42 =	vor.u32 $0x34, v6;
	v8 =	vmul.f32 v9, v8;
	[tilespmem:v36+s23+$0x0] =	vst.idx.msk $0xffff, v11  }
0xae: {  	v44 =	vor.u32 $0x3C, v6;
	v43 =	vmul.f32 v13, v3;
	[tilespmem:v37+s23+$0x0] =	vst.idx.msk $0xffff, v40  }
0xaf: {  	v46 =	vor.u32 $0xD, v7;
	v45 =	vmul.f32 v9, v12;
	[tilespmem:v38+s23+$0x0] =	vst.idx.msk $0xffff, v8  }
0xb0: {  	v48 =	vor.u32 $0x15, v7;
	v47 =	vmul.f32 v13, v2;
	[tilespmem:v39+s23+$0x0] =	vst.idx.msk $0xffff, v43  }
0xb1: {  	v50 =	vor.u32 $0x5, v7;
	v49 =	vmul.f32 v9, v30;
	[tilespmem:v41+s23+$0x0] =	vst.idx.msk $0xffff, v45  }
0xb2: {  	v51 =	vor.u32 $0x1D, v7;
	[tilespmem:v42+s23+$0x0] =	vst.idx.msk $0xffff, v47  }
0xb3: {  	[tilespmem:v44+s23+$0x0] =	vst.idx.msk $0xffff, v49  }
0xb4: {  	v8 =	vld.idx.msk [tilespmem:v46+s19+$0x0], $0xffff  }
0xb5: {  	v11 =	vld.idx.msk [tilespmem:v48+s19+$0x0], $0xffff  }
0xb6: {  	v14 =	vld.idx.msk [tilespmem:v50+s19+$0x0], $0xffff  }
0xb7: {  	v52 =	vld.idx.msk [tilespmem:v51+s19+$0x0], $0xffff  }
0xb8: {  	v9 =	vld.idx.msk [tilespmem:v50+s20+$0x0], $0xffff  }
0xb9: {  	v12 =	vld.idx.msk [tilespmem:v46+s20+$0x0], $0xffff  }
0xba: {  	v13 =	vld.idx.msk [tilespmem:v48+s20+$0x0], $0xffff;
	v53 =	vmul.f32 v8, v4;
	v54 =	vmul.f32 v11, v3  }
0xbb: {  	v10 =	vld.idx.msk [tilespmem:v51+s20+$0x0], $0xffff  }
0xbc: {  	v55 =	vor.u32 $0x5, v6;
	v56 =	vmul.f32 v52, v2;
	v16 =	vadd.f32 v54, v53  }
0xbd: {  	v58 =	vor.u32 $0xD, v6;
	v57 =	vmul.f32 v14, v5  }
0xbe: {  	v59 =	vor.u32 $0x15, v6;
	v16 =	vadd.f32 v56, v16  }
0xbf: {  	v60 =	vor.u32 $0x1D, v6;
	v13 =	vmul.f32 v13, v14;
	v9 =	vmul.f32 v9, v57  }
0xc0: {  	v61 =	vor.u32 $0x25, v6;
	v10 =	vmul.f32 v10, v5;
	v12 =	vmul.f32 v12, v16  }
0xc1: {  	v63 =	vor.u32 $0x2D, v6;
	v62 =	vmul.f32 v13, v4;
	[tilespmem:v55+s23+$0x0] =	vst.idx.msk $0xffff, v9  }
0xc2: {  	v20 =	vor.u32 $0x35, v6;
	v8 =	vmul.f32 v10, v8;
	[tilespmem:v58+s23+$0x0] =	vst.idx.msk $0xffff, v12  }
0xc3: {  	v22 =	vor.u32 $0x3D, v6;
	v21 =	vmul.f32 v13, v3;
	[tilespmem:v59+s23+$0x0] =	vst.idx.msk $0xffff, v62  }
0xc4: {  	v24 =	vor.u32 $0xE, v7;
	v23 =	vmul.f32 v10, v11;
	[tilespmem:v60+s23+$0x0] =	vst.idx.msk $0xffff, v8  }
0xc5: {  	v26 =	vor.u32 $0x16, v7;
	v25 =	vmul.f32 v13, v2;
	[tilespmem:v61+s23+$0x0] =	vst.idx.msk $0xffff, v21  }
0xc6: {  	v28 =	vor.u32 $0x6, v7;
	v27 =	vmul.f32 v10, v52;
	[tilespmem:v63+s23+$0x0] =	vst.idx.msk $0xffff, v23  }
0xc7: {  	v29 =	vor.u32 $0x1E, v7;
	[tilespmem:v20+s23+$0x0] =	vst.idx.msk $0xffff, v25  }
0xc8: {  	[tilespmem:v22+s23+$0x0] =	vst.idx.msk $0xffff, v27  }
0xc9: {  	v8 =	vld.idx.msk [tilespmem:v24+s19+$0x0], $0xffff  }
0xca: {  	v12 =	vld.idx.msk [tilespmem:v26+s19+$0x0], $0xffff  }
0xcb: {  	v14 =	vld.idx.msk [tilespmem:v28+s19+$0x0], $0xffff  }
0xcc: {  	v30 =	vld.idx.msk [tilespmem:v29+s19+$0x0], $0xffff  }
0xcd: {  	v10 =	vld.idx.msk [tilespmem:v28+s20+$0x0], $0xffff  }
0xce: {  	v11 =	vld.idx.msk [tilespmem:v24+s20+$0x0], $0xffff  }
0xcf: {  	v13 =	vld.idx.msk [tilespmem:v26+s20+$0x0], $0xffff;
	v31 =	vmul.f32 v8, v4;
	v32 =	vmul.f32 v12, v3  }
0xd0: {  	v9 =	vld.idx.msk [tilespmem:v29+s20+$0x0], $0xffff  }
0xd1: {  	v33 =	vor.u32 $0x6, v6;
	v34 =	vmul.f32 v30, v2;
	v16 =	vadd.f32 v32, v31  }
0xd2: {  	v36 =	vor.u32 $0xE, v6;
	v35 =	vmul.f32 v14, v5  }
0xd3: {  	v37 =	vor.u32 $0x16, v6;
	v16 =	vadd.f32 v34, v16  }
0xd4: {  	v38 =	vor.u32 $0x1E, v6;
	v13 =	vmul.f32 v13, v14;
	v10 =	vmul.f32 v10, v35  }
0xd5: {  	v39 =	vor.u32 $0x26, v6;
	v9 =	vmul.f32 v9, v5;
	v11 =	vmul.f32 v11, v16  }
0xd6: {  	v41 =	vor.u32 $0x2E, v6;
	v40 =	vmul.f32 v13, v4;
	[tilespmem:v33+s23+$0x0] =	vst.idx.msk $0xffff, v10  }
0xd7: {  	v42 =	vor.u32 $0x36, v6;
	v8 =	vmul.f32 v9, v8;
	[tilespmem:v36+s23+$0x0] =	vst.idx.msk $0xffff, v11  }
0xd8: {  	v44 =	vor.u32 $0x3E, v6;
	v43 =	vmul.f32 v13, v3;
	[tilespmem:v37+s23+$0x0] =	vst.idx.msk $0xffff, v40  }
0xd9: {  	v46 =	vor.u32 $0xF, v7;
	v45 =	vmul.f32 v9, v12;
	[tilespmem:v38+s23+$0x0] =	vst.idx.msk $0xffff, v8  }
0xda: {  	v48 =	vor.u32 $0x17, v7;
	v47 =	vmul.f32 v13, v2;
	[tilespmem:v39+s23+$0x0] =	vst.idx.msk $0xffff, v43  }
0xdb: {  	v50 =	vor.u32 $0x7, v7;
	v49 =	vmul.f32 v9, v30;
	[tilespmem:v41+s23+$0x0] =	vst.idx.msk $0xffff, v45  }
0xdc: {  	v7 =	vor.u32 $0x1F, v7;
	[tilespmem:v42+s23+$0x0] =	vst.idx.msk $0xffff, v47  }
0xdd: {  	[tilespmem:v44+s23+$0x0] =	vst.idx.msk $0xffff, v49  }
0xde: {  	v8 =	vld.idx.msk [tilespmem:v46+s19+$0x0], $0xffff  }
0xdf: {  	v10 =	vld.idx.msk [tilespmem:v48+s19+$0x0], $0xffff  }
0xe0: {  	v11 =	vld.idx.msk [tilespmem:v50+s19+$0x0], $0xffff  }
0xe1: {  	v14 =	vld.idx.msk [tilespmem:v7+s19+$0x0], $0xffff  }
0xe2: {  	v9 =	vld.idx.msk [tilespmem:v50+s20+$0x0], $0xffff  }
0xe3: {  	v12 =	vld.idx.msk [tilespmem:v46+s20+$0x0], $0xffff  }
0xe4: {  	v13 =	vld.idx.msk [tilespmem:v48+s20+$0x0], $0xffff;
	v51 =	vmul.f32 v8, v4;
	v52 =	vmul.f32 v10, v3  }
0xe5: {  	v7 =	vld.idx.msk [tilespmem:v7+s20+$0x0], $0xffff  }
0xe6: {  	v53 =	vor.u32 $0x7, v6;
	v54 =	vmul.f32 v14, v2;
	v15 =	vadd.f32 v52, v51  }
0xe7: {  	v56 =	vor.u32 $0xF, v6;
	v55 =	vmul.f32 v11, v5  }
0xe8: {  	v57 =	vor.u32 $0x17, v6;
	v15 =	vadd.f32 v54, v15  }
0xe9: {  	v58 =	vor.u32 $0x1F, v6;
	v11 =	vmul.f32 v13, v11;
	v9 =	vmul.f32 v9, v55  }
0xea: {  	v59 =	vor.u32 $0x27, v6;
	v5 =	vmul.f32 v7, v5;
	v12 =	vmul.f32 v12, v15  }
0xeb: {  	v60 =	vor.u32 $0x2F, v6;
	v4 =	vmul.f32 v11, v4;
	[tilespmem:v53+s23+$0x0] =	vst.idx.msk $0xffff, v9  }
0xec: {  	v61 =	vor.u32 $0x37, v6;
	v8 =	vmul.f32 v5, v8;
	[tilespmem:v56+s23+$0x0] =	vst.idx.msk $0xffff, v12  }
0xed: {  	p1 =	sne.s32 s26, $0x70;
	v62 =	vor.u32 $0x3F, v6;
	v3 =	vmul.f32 v11, v3;
	[tilespmem:v57+s23+$0x0] =	vst.idx.msk $0xffff, v4  }
.Ltmp1:
0xee: {  	v63 =	vmul.f32 v5, v10;
	[tilespmem:v58+s23+$0x0] =	vst.idx.msk $0xffff, v8;
	(pc) =	sbr.rel @p1 .LBB2_5-.Ltmp1, $4  }
0xef: {  	v2 =	vmul.f32 v11, v2;
	[tilespmem:v59+s23+$0x0] =	vst.idx.msk $0xffff, v3  }
0xf0: {  	v3 =	vmul.f32 v5, v14;
	[tilespmem:v60+s23+$0x0] =	vst.idx.msk $0xffff, v63  }
0xf1: {  	[tilespmem:v61+s23+$0x0] =	vst.idx.msk $0xffff, v2  }
0xf2: {  	s26 =	sadd.s32 $0x10, s26;
	[tilespmem:v62+s23+$0x0] =	vst.idx.msk $0xffff, v3  }
0xf3: {  	s25 =	sadd.s32 $0x1, s25  }
0xf4: {  	p1 =	sne.s32 s25, s12  }
.Ltmp2:
0xf5: {  	_ = 	snop;
	(pc) =	sbr.rel @p1 .LBB2_4-.Ltmp2, $4  }
0xf6: {  	[spmem:s3] =	stream.indirect.scatter.add.f32 [tilespmem:s23], [sflag:$0x2], $0x40, s18, s18, $0xb8;
	[tilespmem:$0x17D40] =	vst v63  }
0xf7: {  	_ =	swait.ge [sflag:s17], $0x2000  }
0xf8: {  	[sflag:s17] =	ssyncset.done $0x0  }
0xf9: {  	[sflag:s17] =	ssyncadd.s32 $0xFFFFE000  }
0xfa: {  	s24 =	sshll.u32 s7, $0x6  }
0xfb: {  	[bflag:$0x0] =	sbarrier.arrive $0xFFFF;
	s25 =	sshrl.u32 s9, $0x3;
	s24 =	sor.u32 $0x1C02, s24  }
0xfc: {  	[hbm:s13], [sflag:s24] =	dma.local [spmem:s25], $0x1380  }
0xfd: {  	_ =	swait.ge [sflag:s17], $0x1380  }
0xfe: {  	s4 =	sadd.s32 $0x1, s4;
	[sflag:s17] =	ssyncset.done $0x0  }
0xff: {  	p1 =	sne.s32 s4, s15;
	s25 =	sshrl.u32 @!p0 s10, $0x3;
	[sflag:s17] =	ssyncadd.s32 $0xFFFFEC80  }
0x100: {  	[hbm:s14], [sflag:s24] =	dma.local @!p0 [spmem:s25], $0x80  }
.Ltmp3:
0x101: {  	_ = 	snop;
	(pc) =	sbr.rel @p1 .LBB2_1-.Ltmp3, $4  }
0x102: {  	s24 =	simm.s32 @!p0 $0x2  }
0x103: {  	_ =	swait.ge @!p0 [sflag:s24], $0x80  }
0x104: {  	[sflag:s24] =	ssyncset.done @!p0 $0x0  }
0x105: {  	[sflag:s24] =	ssyncadd.s32 @!p0 $0xFFFFFF80  }
0x106: {  	_ =	sfence.sel $0x180000  }
0x107: {  	[bflag:$0x0] =	sbarrier.arrive $0xFFFF  }
0x108: {  	_ =	strace $0x90000047  }
0x109: {  	s0 =	sadd.s32 @!p0 $0x100000, s0;
	[bflag:$0x2] =	sbarrier.arrive $0xFFFF  }
0x10a: {  	[sflag:s0] =	ssyncadd.tile.s32 @!p0 $0x1;
	_ =	shalt  }
.Lfunc_end2:
_tile_overlayer_lowered:
.L_overlay_start_2:
0x10b: {  	(tag) =	ssettag $0x2  }
0x10c: {  	s0 =	rddreg [dreg:$0x0];
	s2 =	stileid.u32  }
0x10d: {  	s1 =	rddreg [dreg:$0x1];
	p0 =	sne.s32 s2, $0x0  }
0x10e: {  	s3 =	rddreg [dreg:$0x2];
	[bflag:$0x3] =	sbarrier.arrive $0xFFFF;
	s2 =	simm.s32 @!p0 $0x1C02  }
0x10f: {  	[timem:s3], [sflag:s2] =	dma.local @!p0 [hbm:s0], s1  }
0x110: {  	s0 =	simm.s32 @!p0 $0x2  }
0x111: {  	_ =	swait.ge @!p0 [sflag:s0], s1  }
0x112: {  	s1 =	ssub.s32 @!p0 $0x0, s1;
	[sflag:s0] =	ssyncset.done @!p0 $0x0  }
0x113: {  	[sflag:s0] =	ssyncadd.s32 @!p0 s1  }
0x114: {  	[bflag:$0x3] =	sbarrier.arrive $0xFFFF  }
0x115: {  	_ =	shalt  }

</sc_bundles>
